<compile_context>
chip_gen: v7x
topology: tpu7x:2x2x1
jax: 0.10.2.dev20260603
libtpu: 0.0.44.dev20260713+nightly
codegen_flags: <defaults>
</compile_context>

<pallas_src>
import jax
import jax.numpy as jnp
from jax import lax
from jax.experimental import pallas as pl
from jax.experimental.pallas import tpu as pltpu
from jax.experimental.pallas import tpu_sc as plsc

LANES = 16
CHUNK = 32


def _add_kernel(x_ref, emb_ref, out_ref):
    out_ref[...] = x_ref[...] + emb_ref[...][None, :, :]


def _sc_body(x_hbm, emb_hbm, out_hbm, x_buf, emb_buf):
    total_rows, d = x_hbm.shape
    out_rows = out_hbm.shape[0]
    x_base = total_rows - out_rows
    info = plsc.get_sparse_core_info()
    nw = info.num_cores * info.num_subcores
    rows_per_w = out_rows // nw
    n_chunks = rows_per_w // CHUNK

    wid = lax.axis_index("s") * info.num_cores + lax.axis_index("c")
    row0 = wid * rows_per_w

    def chunk_body(ch, _):
        r = row0 + ch * CHUNK
        pltpu.sync_copy(x_hbm.at[pl.ds(x_base + r, CHUNK)], x_buf)
        pltpu.sync_copy(emb_hbm.at[pl.ds(r, CHUNK)], emb_buf)

        def row_body(j, _):
            for k in range(d // LANES):
                sl = pl.ds(k * LANES, LANES)
                x_buf[j, sl] = x_buf[j, sl] + emb_buf[j, sl]
            return 0

        lax.fori_loop(0, CHUNK, row_body, 0)
        pltpu.sync_copy(x_buf, out_hbm.at[pl.ds(r, CHUNK)])
        return 0

    lax.fori_loop(0, n_chunks, chunk_body, 0)


def kernel(x, emb_table):
    batch, seq, d = x.shape
    sb = 2048
    n_seq = seq // sb
    tc_batch = batch - 1

    tc_out = pl.pallas_call(
        _add_kernel,
        grid=(n_seq, tc_batch),
        in_specs=[
            pl.BlockSpec((1, sb, d), lambda s, b: (b, s, 0)),
            pl.BlockSpec((sb, d), lambda s, b: (s, 0)),
        ],
        out_specs=pl.BlockSpec((1, sb, d), lambda s, b: (b, s, 0)),
        out_shape=jax.ShapeDtypeStruct((tc_batch, seq, d), x.dtype),
    )(x, emb_table)

    sc_add = pl.kernel(
        _sc_body,
        out_type=jax.ShapeDtypeStruct((seq, d), x.dtype),
        mesh=plsc.VectorSubcoreMesh(core_axis_name="c", subcore_axis_name="s"),
        scratch_types=[
            pltpu.VMEM((CHUNK, d), jnp.float32),
            pltpu.VMEM((CHUNK, d), jnp.float32),
        ],
    )
    sc_out = sc_add(x.reshape(batch * seq, d), emb_table)

    return jnp.concatenate([tc_out, sc_out[None]], axis=0)

# --- scband reference (transcript-rebuilt; emitter-appended) ---
"""Pipeline reference for scband-learned-positional-encoding-47261820125544 (READ-ONLY COPY).

The authoritative reference and input builder live on the scoring server;
editing this copy changes nothing except your own understanding.
"""

import jax, jax.numpy as jnp
import numpy as np

D_MODEL = 1024
BLOCK_SIZE = 4096
BATCH = 4
SEQ = 4096

def setup_inputs(seed: int = 0) -> dict:
    key = jax.random.key(seed)
    k1, k2 = jax.random.split(key)
    x = jax.random.normal(k1, (BATCH, SEQ, D_MODEL), dtype=jnp.float32)
    # learned positional embedding table, sized per init_kwargs (block_size, d_model)
    emb_table = jax.random.normal(k2, (BLOCK_SIZE, D_MODEL), dtype=jnp.float32) * 0.02
    return {"x": x, "emb_table": emb_table}

def reference(x, emb_table):
    # forward: pos_emb = embedding(arange(seq)); x = x + pos_emb
    seq = x.shape[1]
    positions = jnp.arange(0, seq, dtype=jnp.int32)
    pos_emb = jnp.take(emb_table, positions, axis=0)  # [seq, d_model]
    out = x + pos_emb[None, :, :]
    return out

if __name__ == "__main__":
    import jax
    _d = setup_inputs()
    print(jax.jit(kernel)(*tuple(_d.values())))

</pallas_src>

<mosaic_0001>
#map = affine_map<(d0, d1) -> (0, 0)>
module attributes {stable_mosaic.version = 14 : i64} {
  func.func @_sc_body(%arg0: i32, %arg1: i32, %arg2: memref<16384x1024xf32, #tpu.memory_space<hbm>>, %arg3: memref<4096x1024xf32, #tpu.memory_space<hbm>>, %arg4: memref<4096x1024xf32, #tpu.memory_space<hbm>>, %arg5: memref<32x1024xf32, #tpu.memory_space<vmem>>, %arg6: memref<32x1024xf32, #tpu.memory_space<vmem>>) attributes {dimension_semantics = [#tpu.dimension_semantics<core_parallel>, #tpu.dimension_semantics<subcore_parallel>], iteration_bounds = array<i64: 2, 16>, scalar_prefetch = 0 : i64, scratch_operands = 2 : i64, tpu.core_type = #tpu.core_type<sc_vector_subcore>, window_params = [{transform_indices = #map}, {transform_indices = #map}, {transform_indices = #map}]} {
    %mul3A = arith.constant 2 : i32
    %mul3A_0 = arith.muli %arg1, %mul3A : i32
    %add3A = arith.addi %mul3A_0, %arg0 : i32
    %mul3A_1 = arith.constant 128 : i32
    %mul3A_2 = arith.muli %add3A, %mul3A_1 : i32
    %scan3A = arith.constant 0 : i32
    %scan3A_3 = arith.constant 0 : i32
    %scan3A_4 = arith.constant 4 : i32
    %scan3A_5 = arith.addi %scan3A_3, %scan3A_4 : i32
    %scan3A_6 = arith.constant 1 : i32
    %scan3A_7 = scf.for %scan3A_9 = %scan3A_3 to %scan3A_5 step %scan3A_6 iter_args(%scan3A_10 = %scan3A) -> (i32)  : i32 {
      %mul3A_11 = arith.constant 32 : i32
      %mul3A_12 = arith.muli %scan3A_9, %mul3A_11 : i32
      %add3A_13 = arith.addi %mul3A_2, %mul3A_12 : i32
      %add3A_14 = arith.constant 12288 : i32
      %add3A_15 = arith.addi %add3A_14, %add3A_13 : i32
      "tpu.region"() ({
        %run_scoped3A = tpu.sem_alloc : memref<!tpu.dma_semaphore, #tpu.memory_space<semaphore_mem>>
        %dma_start3A = arith.constant 0 : i32
        %dma_start3A_24 = tpu.memref_slice %arg2[%add3A_15, %dma_start3A] : memref<16384x1024xf32, #tpu.memory_space<hbm>> -> memref<32x1024xf32, #tpu.memory_space<hbm>>
        %dma_start3A_25 = arith.constant 0 : i32
        %dma_start3A_26 = tpu.memref_slice %arg2[%add3A_15, %dma_start3A_25] : memref<16384x1024xf32, #tpu.memory_space<hbm>> -> memref<32x1024xf32, #tpu.memory_space<hbm>>
        tpu.enqueue_dma source(%dma_start3A_26 : memref<32x1024xf32, #tpu.memory_space<hbm>>) target(%arg5 : memref<32x1024xf32, #tpu.memory_space<vmem>>) target_semaphore(%run_scoped3A : memref<!tpu.dma_semaphore, #tpu.memory_space<semaphore_mem>>)
        %dma_wait3A = arith.constant 0 : i32
        %dma_wait3A_27 = tpu.memref_slice %arg2[%add3A_15, %dma_wait3A] : memref<16384x1024xf32, #tpu.memory_space<hbm>> -> memref<32x1024xf32, #tpu.memory_space<hbm>>
        %dma_wait3A_28 = arith.constant 0 : i32
        %dma_wait3A_29 = tpu.memref_slice %arg2[%add3A_15, %dma_wait3A_28] : memref<16384x1024xf32, #tpu.memory_space<hbm>> -> memref<32x1024xf32, #tpu.memory_space<hbm>>
        tpu.wait_dma2 semaphore(%run_scoped3A : memref<!tpu.dma_semaphore, #tpu.memory_space<semaphore_mem>>) src(%dma_wait3A_29 : memref<32x1024xf32, #tpu.memory_space<hbm>>) dst(%arg5 : memref<32x1024xf32, #tpu.memory_space<vmem>>)
        tpu.yield
      }) : () -> ()
      "tpu.region"() ({
        %run_scoped3A = tpu.sem_alloc : memref<!tpu.dma_semaphore, #tpu.memory_space<semaphore_mem>>
        %dma_start3A = arith.constant 0 : i32
        %dma_start3A_24 = tpu.memref_slice %arg3[%add3A_13, %dma_start3A] : memref<4096x1024xf32, #tpu.memory_space<hbm>> -> memref<32x1024xf32, #tpu.memory_space<hbm>>
        %dma_start3A_25 = arith.constant 0 : i32
        %dma_start3A_26 = tpu.memref_slice %arg3[%add3A_13, %dma_start3A_25] : memref<4096x1024xf32, #tpu.memory_space<hbm>> -> memref<32x1024xf32, #tpu.memory_space<hbm>>
        tpu.enqueue_dma source(%dma_start3A_26 : memref<32x1024xf32, #tpu.memory_space<hbm>>) target(%arg6 : memref<32x1024xf32, #tpu.memory_space<vmem>>) target_semaphore(%run_scoped3A : memref<!tpu.dma_semaphore, #tpu.memory_space<semaphore_mem>>)
        %dma_wait3A = arith.constant 0 : i32
        %dma_wait3A_27 = tpu.memref_slice %arg3[%add3A_13, %dma_wait3A] : memref<4096x1024xf32, #tpu.memory_space<hbm>> -> memref<32x1024xf32, #tpu.memory_space<hbm>>
        %dma_wait3A_28 = arith.constant 0 : i32
        %dma_wait3A_29 = tpu.memref_slice %arg3[%add3A_13, %dma_wait3A_28] : memref<4096x1024xf32, #tpu.memory_space<hbm>> -> memref<32x1024xf32, #tpu.memory_space<hbm>>
        tpu.wait_dma2 semaphore(%run_scoped3A : memref<!tpu.dma_semaphore, #tpu.memory_space<semaphore_mem>>) src(%dma_wait3A_29 : memref<32x1024xf32, #tpu.memory_space<hbm>>) dst(%arg6 : memref<32x1024xf32, #tpu.memory_space<vmem>>)
        tpu.yield
      }) : () -> ()
      %scan3A_16 = arith.constant 0 : i32
      %scan3A_17 = arith.constant 0 : i32
      %scan3A_18 = arith.constant 32 : i32
      %scan3A_19 = arith.addi %scan3A_17, %scan3A_18 : i32
      %scan3A_20 = arith.constant 1 : i32
      %scan3A_21 = scf.for %scan3A_24 = %scan3A_17 to %scan3A_19 step %scan3A_20 iter_args(%scan3A_25 = %scan3A_16) -> (i32)  : i32 {
        %get3A = arith.index_cast %scan3A_24 : i32 to index
        %get3A_26 = arith.constant 0 : index
        %get3A_27 = tpu.vector_load %arg5[%get3A, %get3A_26] {strides = array<i32>} : memref<32x1024xf32, #tpu.memory_space<vmem>>, vector<1x16xf32>,
        %get3A_28 = vector.shape_cast %get3A_27 : vector<1x16xf32> to vector<16xf32>
        %get3A_29 = arith.index_cast %scan3A_24 : i32 to index
        %get3A_30 = arith.constant 0 : index
        %get3A_31 = tpu.vector_load %arg6[%get3A_29, %get3A_30] {strides = array<i32>} : memref<32x1024xf32, #tpu.memory_space<vmem>>, vector<1x16xf32>,
        %get3A_32 = vector.shape_cast %get3A_31 : vector<1x16xf32> to vector<16xf32>
        %add3A_33 = arith.addf %get3A_28, %get3A_32 : vector<16xf32>
        %swap3A = arith.index_cast %scan3A_24 : i32 to index
        %swap3A_34 = arith.constant 0 : index
        %swap3A_35 = tpu.vector_load %arg5[%swap3A, %swap3A_34] {strides = array<i32>} : memref<32x1024xf32, #tpu.memory_space<vmem>>, vector<1x16xf32>,
        %swap3A_36 = vector.shape_cast %swap3A_35 : vector<1x16xf32> to vector<16xf32>
        %swap3A_37 = vector.shape_cast %add3A_33 : vector<16xf32> to vector<1x16xf32>
        tpu.vector_store %arg5[%swap3A, %swap3A_34], %swap3A_37 {strides = array<i32>} : memref<32x1024xf32, #tpu.memory_space<vmem>>, vector<1x16xf32>,
        %get3A_38 = arith.index_cast %scan3A_24 : i32 to index
        %get3A_39 = arith.constant 16 : index
        %get3A_40 = tpu.vector_load %arg5[%get3A_38, %get3A_39] {strides = array<i32>} : memref<32x1024xf32, #tpu.memory_space<vmem>>, vector<1x16xf32>,
        %get3A_41 = vector.shape_cast %get3A_40 : vector<1x16xf32> to vector<16xf32>
        %get3A_42 = arith.index_cast %scan3A_24 : i32 to index
        %get3A_43 = arith.constant 16 : index
        %get3A_44 = tpu.vector_load %arg6[%get3A_42, %get3A_43] {strides = array<i32>} : memref<32x1024xf32, #tpu.memory_space<vmem>>, vector<1x16xf32>,
        %get3A_45 = vector.shape_cast %get3A_44 : vector<1x16xf32> to vector<16xf32>
        %add3A_46 = arith.addf %get3A_41, %get3A_45 : vector<16xf32>
        %swap3A_47 = arith.index_cast %scan3A_24 : i32 to index
        %swap3A_48 = arith.constant 16 : index
        %swap3A_49 = tpu.vector_load %arg5[%swap3A_47, %swap3A_48] {strides = array<i32>} : memref<32x1024xf32, #tpu.memory_space<vmem>>, vector<1x16xf32>,
        %swap3A_50 = vector.shape_cast %swap3A_49 : vector<1x16xf32> to vector<16xf32>
        %swap3A_51 = vector.shape_cast %add3A_46 : vector<16xf32> to vector<1x16xf32>
        tpu.vector_store %arg5[%swap3A_47, %swap3A_48], %swap3A_51 {strides = array<i32>} : memref<32x1024xf32, #tpu.memory_space<vmem>>, vector<1x16xf32>,
        %get3A_52 = arith.index_cast %scan3A_24 : i32 to index
        %get3A_53 = arith.constant 32 : index
        %get3A_54 = tpu.vector_load %arg5[%get3A_52, %get3A_53] {strides = array<i32>} : memref<32x1024xf32, #tpu.memory_space<vmem>>, vector<1x16xf32>,
        %get3A_55 = vector.shape_cast %get3A_54 : vector<1x16xf32> to vector<16xf32>
        %get3A_56 = arith.index_cast %scan3A_24 : i32 to index
        %get3A_57 = arith.constant 32 : index
        %get3A_58 = tpu.vector_load %arg6[%get3A_56, %get3A_57] {strides = array<i32>} : memref<32x1024xf32, #tpu.memory_space<vmem>>, vector<1x16xf32>,
        %get3A_59 = vector.shape_cast %get3A_58 : vector<1x16xf32> to vector<16xf32>
        %add3A_60 = arith.addf %get3A_55, %get3A_59 : vector<16xf32>
        %swap3A_61 = arith.index_cast %scan3A_24 : i32 to index
        %swap3A_62 = arith.constant 32 : index
        %swap3A_63 = tpu.vector_load %arg5[%swap3A_61, %swap3A_62] {strides = array<i32>} : memref<32x1024xf32, #tpu.memory_space<vmem>>, vector<1x16xf32>,
        %swap3A_64 = vector.shape_cast %swap3A_63 : vector<1x16xf32> to vector<16xf32>
        %swap3A_65 = vector.shape_cast %add3A_60 : vector<16xf32> to vector<1x16xf32>
        tpu.vector_store %arg5[%swap3A_61, %swap3A_62], %swap3A_65 {strides = array<i32>} : memref<32x1024xf32, #tpu.memory_space<vmem>>, vector<1x16xf32>,
        %get3A_66 = arith.index_cast %scan3A_24 : i32 to index
        %get3A_67 = arith.constant 48 : index
        %get3A_68 = tpu.vector_load %arg5[%get3A_66, %get3A_67] {strides = array<i32>} : memref<32x1024xf32, #tpu.memory_space<vmem>>, vector<1x16xf32>,
        %get3A_69 = vector.shape_cast %get3A_68 : vector<1x16xf32> to vector<16xf32>
        %get3A_70 = arith.index_cast %scan3A_24 : i32 to index
        %get3A_71 = arith.constant 48 : index
        %get3A_72 = tpu.vector_load %arg6[%get3A_70, %get3A_71] {strides = array<i32>} : memref<32x1024xf32, #tpu.memory_space<vmem>>, vector<1x16xf32>,
        %get3A_73 = vector.shape_cast %get3A_72 : vector<1x16xf32> to vector<16xf32>
        %add3A_74 = arith.addf %get3A_69, %get3A_73 : vector<16xf32>
        %swap3A_75 = arith.index_cast %scan3A_24 : i32 to index
        %swap3A_76 = arith.constant 48 : index
        %swap3A_77 = tpu.vector_load %arg5[%swap3A_75, %swap3A_76] {strides = array<i32>} : memref<32x1024xf32, #tpu.memory_space<vmem>>, vector<1x16xf32>,
        %swap3A_78 = vector.shape_cast %swap3A_77 : vector<1x16xf32> to vector<16xf32>
        %swap3A_79 = vector.shape_cast %add3A_74 : vector<16xf32> to vector<1x16xf32>
        tpu.vector_store %arg5[%swap3A_75, %swap3A_76], %swap3A_79 {strides = array<i32>} : memref<32x1024xf32, #tpu.memory_space<vmem>>, vector<1x16xf32>,
        %get3A_80 = arith.index_cast %scan3A_24 : i32 to index
        %get3A_81 = arith.constant 64 : index
        %get3A_82 = tpu.vector_load %arg5[%get3A_80, %get3A_81] {strides = array<i32>} : memref<32x1024xf32, #tpu.memory_space<vmem>>, vector<1x16xf32>,
        %get3A_83 = vector.shape_cast %get3A_82 : vector<1x16xf32> to vector<16xf32>
        %get3A_84 = arith.index_cast %scan3A_24 : i32 to index
        %get3A_85 = arith.constant 64 : index
        %get3A_86 = tpu.vector_load %arg6[%get3A_84, %get3A_85] {strides = array<i32>} : memref<32x1024xf32, #tpu.memory_space<vmem>>, vector<1x16xf32>,
        %get3A_87 = vector.shape_cast %get3A_86 : vector<1x16xf32> to vector<16xf32>
        %add3A_88 = arith.addf %get3A_83, %get3A_87 : vector<16xf32>
        %swap3A_89 = arith.index_cast %scan3A_24 : i32 to index
        %swap3A_90 = arith.constant 64 : index
        %swap3A_91 = tpu.vector_load %arg5[%swap3A_89, %swap3A_90] {strides = array<i32>} : memref<32x1024xf32, #tpu.memory_space<vmem>>, vector<1x16xf32>,
        %swap3A_92 = vector.shape_cast %swap3A_91 : vector<1x16xf32> to vector<16xf32>
        %swap3A_93 = vector.shape_cast %add3A_88 : vector<16xf32> to vector<1x16xf32>
        tpu.vector_store %arg5[%swap3A_89, %swap3A_90], %swap3A_93 {strides = array<i32>} : memref<32x1024xf32, #tpu.memory_space<vmem>>, vector<1x16xf32>,
        %get3A_94 = arith.index_cast %scan3A_24 : i32 to index
        %get3A_95 = arith.constant 80 : index
        %get3A_96 = tpu.vector_load %arg5[%get3A_94, %get3A_95] {strides = array<i32>} : memref<32x1024xf32, #tpu.memory_space<vmem>>, vector<1x16xf32>,
        %get3A_97 = vector.shape_cast %get3A_96 : vector<1x16xf32> to vector<16xf32>
        %get3A_98 = arith.index_cast %scan3A_24 : i32 to index
        %get3A_99 = arith.constant 80 : index
        %get3A_100 = tpu.vector_load %arg6[%get3A_98, %get3A_99] {strides = array<i32>} : memref<32x1024xf32, #tpu.memory_space<vmem>>, vector<1x16xf32>,
        %get3A_101 = vector.shape_cast %get3A_100 : vector<1x16xf32> to vector<16xf32>
        %add3A_102 = arith.addf %get3A_97, %get3A_101 : vector<16xf32>
        %swap3A_103 = arith.index_cast %scan3A_24 : i32 to index
        %swap3A_104 = arith.constant 80 : index
        %swap3A_105 = tpu.vector_load %arg5[%swap3A_103, %swap3A_104] {strides = array<i32>} : memref<32x1024xf32, #tpu.memory_space<vmem>>, vector<1x16xf32>,
        %swap3A_106 = vector.shape_cast %swap3A_105 : vector<1x16xf32> to vector<16xf32>
        %swap3A_107 = vector.shape_cast %add3A_102 : vector<16xf32> to vector<1x16xf32>
        tpu.vector_store %arg5[%swap3A_103, %swap3A_104], %swap3A_107 {strides = array<i32>} : memref<32x1024xf32, #tpu.memory_space<vmem>>, vector<1x16xf32>,
        %get3A_108 = arith.index_cast %scan3A_24 : i32 to index
        %get3A_109 = arith.constant 96 : index
        %get3A_110 = tpu.vector_load %arg5[%get3A_108, %get3A_109] {strides = array<i32>} : memref<32x1024xf32, #tpu.memory_space<vmem>>, vector<1x16xf32>,
        %get3A_111 = vector.shape_cast %get3A_110 : vector<1x16xf32> to vector<16xf32>
        %get3A_112 = arith.index_cast %scan3A_24 : i32 to index
        %get3A_113 = arith.constant 96 : index
        %get3A_114 = tpu.vector_load %arg6[%get3A_112, %get3A_113] {strides = array<i32>} : memref<32x1024xf32, #tpu.memory_space<vmem>>, vector<1x16xf32>,
        %get3A_115 = vector.shape_cast %get3A_114 : vector<1x16xf32> to vector<16xf32>
        %add3A_116 = arith.addf %get3A_111, %get3A_115 : vector<16xf32>
        %swap3A_117 = arith.index_cast %scan3A_24 : i32 to index
        %swap3A_118 = arith.constant 96 : index
        %swap3A_119 = tpu.vector_load %arg5[%swap3A_117, %swap3A_118] {strides = array<i32>} : memref<32x1024xf32, #tpu.memory_space<vmem>>, vector<1x16xf32>,
        %swap3A_120 = vector.shape_cast %swap3A_119 : vector<1x16xf32> to vector<16xf32>
        %swap3A_121 = vector.shape_cast %add3A_116 : vector<16xf32> to vector<1x16xf32>
        tpu.vector_store %arg5[%swap3A_117, %swap3A_118], %swap3A_121 {strides = array<i32>} : memref<32x1024xf32, #tpu.memory_space<vmem>>, vector<1x16xf32>,
        %get3A_122 = arith.index_cast %scan3A_24 : i32 to index
        %get3A_123 = arith.constant 112 : index
        %get3A_124 = tpu.vector_load %arg5[%get3A_122, %get3A_123] {strides = array<i32>} : memref<32x1024xf32, #tpu.memory_space<vmem>>, vector<1x16xf32>,
        %get3A_125 = vector.shape_cast %get3A_124 : vector<1x16xf32> to vector<16xf32>
        %get3A_126 = arith.index_cast %scan3A_24 : i32 to index
        %get3A_127 = arith.constant 112 : index
        %get3A_128 = tpu.vector_load %arg6[%get3A_126, %get3A_127] {strides = array<i32>} : memref<32x1024xf32, #tpu.memory_space<vmem>>, vector<1x16xf32>,
        %get3A_129 = vector.shape_cast %get3A_128 : vector<1x16xf32> to vector<16xf32>
        %add3A_130 = arith.addf %get3A_125, %get3A_129 : vector<16xf32>
        %swap3A_131 = arith.index_cast %scan3A_24 : i32 to index
        %swap3A_132 = arith.constant 112 : index
        %swap3A_133 = tpu.vector_load %arg5[%swap3A_131, %swap3A_132] {strides = array<i32>} : memref<32x1024xf32, #tpu.memory_space<vmem>>, vector<1x16xf32>,
        %swap3A_134 = vector.shape_cast %swap3A_133 : vector<1x16xf32> to vector<16xf32>
        %swap3A_135 = vector.shape_cast %add3A_130 : vector<16xf32> to vector<1x16xf32>
        tpu.vector_store %arg5[%swap3A_131, %swap3A_132], %swap3A_135 {strides = array<i32>} : memref<32x1024xf32, #tpu.memory_space<vmem>>, vector<1x16xf32>,
        %get3A_136 = arith.index_cast %scan3A_24 : i32 to index
        %get3A_137 = arith.constant 128 : index
        %get3A_138 = tpu.vector_load %arg5[%get3A_136, %get3A_137] {strides = array<i32>} : memref<32x1024xf32, #tpu.memory_space<vmem>>, vector<1x16xf32>,
        %get3A_139 = vector.shape_cast %get3A_138 : vector<1x16xf32> to vector<16xf32>
        %get3A_140 = arith.index_cast %scan3A_24 : i32 to index
        %get3A_141 = arith.constant 128 : index
        %get3A_142 = tpu.vector_load %arg6[%get3A_140, %get3A_141] {strides = array<i32>} : memref<32x1024xf32, #tpu.memory_space<vmem>>, vector<1x16xf32>,
        %get3A_143 = vector.shape_cast %get3A_142 : vector<1x16xf32> to vector<16xf32>
        %add3A_144 = arith.addf %get3A_139, %get3A_143 : vector<16xf32>
        %swap3A_145 = arith.index_cast %scan3A_24 : i32 to index
        %swap3A_146 = arith.constant 128 : index
        %swap3A_147 = tpu.vector_load %arg5[%swap3A_145, %swap3A_146] {strides = array<i32>} : memref<32x1024xf32, #tpu.memory_space<vmem>>, vector<1x16xf32>,
        %swap3A_148 = vector.shape_cast %swap3A_147 : vector<1x16xf32> to vector<16xf32>
        %swap3A_149 = vector.shape_cast %add3A_144 : vector<16xf32> to vector<1x16xf32>
        tpu.vector_store %arg5[%swap3A_145, %swap3A_146], %swap3A_149 {strides = array<i32>} : memref<32x1024xf32, #tpu.memory_space<vmem>>, vector<1x16xf32>,
        %get3A_150 = arith.index_cast %scan3A_24 : i32 to index
        %get3A_151 = arith.constant 144 : index
        %get3A_152 = tpu.vector_load %arg5[%get3A_150, %get3A_151] {strides = array<i32>} : memref<32x1024xf32, #tpu.memory_space<vmem>>, vector<1x16xf32>,
        %get3A_153 = vector.shape_cast %get3A_152 : vector<1x16xf32> to vector<16xf32>
        %get3A_154 = arith.index_cast %scan3A_24 : i32 to index
        %get3A_155 = arith.constant 144 : index
        %get3A_156 = tpu.vector_load %arg6[%get3A_154, %get3A_155] {strides = array<i32>} : memref<32x1024xf32, #tpu.memory_space<vmem>>, vector<1x16xf32>,
        %get3A_157 = vector.shape_cast %get3A_156 : vector<1x16xf32> to vector<16xf32>
        %add3A_158 = arith.addf %get3A_153, %get3A_157 : vector<16xf32>
        %swap3A_159 = arith.index_cast %scan3A_24 : i32 to index
        %swap3A_160 = arith.constant 144 : index
        %swap3A_161 = tpu.vector_load %arg5[%swap3A_159, %swap3A_160] {strides = array<i32>} : memref<32x1024xf32, #tpu.memory_space<vmem>>, vector<1x16xf32>,
        %swap3A_162 = vector.shape_cast %swap3A_161 : vector<1x16xf32> to vector<16xf32>
        %swap3A_163 = vector.shape_cast %add3A_158 : vector<16xf32> to vector<1x16xf32>
        tpu.vector_store %arg5[%swap3A_159, %swap3A_160], %swap3A_163 {strides = array<i32>} : memref<32x1024xf32, #tpu.memory_space<vmem>>, vector<1x16xf32>,
        %get3A_164 = arith.index_cast %scan3A_24 : i32 to index
        %get3A_165 = arith.constant 160 : index
        %get3A_166 = tpu.vector_load %arg5[%get3A_164, %get3A_165] {strides = array<i32>} : memref<32x1024xf32, #tpu.memory_space<vmem>>, vector<1x16xf32>,
        %get3A_167 = vector.shape_cast %get3A_166 : vector<1x16xf32> to vector<16xf32>
        %get3A_168 = arith.index_cast %scan3A_24 : i32 to index
        %get3A_169 = arith.constant 160 : index
        %get3A_170 = tpu.vector_load %arg6[%get3A_168, %get3A_169] {strides = array<i32>} : memref<32x1024xf32, #tpu.memory_space<vmem>>, vector<1x16xf32>,
        %get3A_171 = vector.shape_cast %get3A_170 : vector<1x16xf32> to vector<16xf32>
        %add3A_172 = arith.addf %get3A_167, %get3A_171 : vector<16xf32>
        %swap3A_173 = arith.index_cast %scan3A_24 : i32 to index
        %swap3A_174 = arith.constant 160 : index
        %swap3A_175 = tpu.vector_load %arg5[%swap3A_173, %swap3A_174] {strides = array<i32>} : memref<32x1024xf32, #tpu.memory_space<vmem>>, vector<1x16xf32>,
        %swap3A_176 = vector.shape_cast %swap3A_175 : vector<1x16xf32> to vector<16xf32>
        %swap3A_177 = vector.shape_cast %add3A_172 : vector<16xf32> to vector<1x16xf32>
        tpu.vector_store %arg5[%swap3A_173, %swap3A_174], %swap3A_177 {strides = array<i32>} : memref<32x1024xf32, #tpu.memory_space<vmem>>, vector<1x16xf32>,
        %get3A_178 = arith.index_cast %scan3A_24 : i32 to index
        %get3A_179 = arith.constant 176 : index
        %get3A_180 = tpu.vector_load %arg5[%get3A_178, %get3A_179] {strides = array<i32>} : memref<32x1024xf32, #tpu.memory_space<vmem>>, vector<1x16xf32>,
        %get3A_181 = vector.shape_cast %get3A_180 : vector<1x16xf32> to vector<16xf32>
        %get3A_182 = arith.index_cast %scan3A_24 : i32 to index
        %get3A_183 = arith.constant 176 : index
        %get3A_184 = tpu.vector_load %arg6[%get3A_182, %get3A_183] {strides = array<i32>} : memref<32x1024xf32, #tpu.memory_space<vmem>>, vector<1x16xf32>,
        %get3A_185 = vector.shape_cast %get3A_184 : vector<1x16xf32> to vector<16xf32>
        %add3A_186 = arith.addf %get3A_181, %get3A_185 : vector<16xf32>
        %swap3A_187 = arith.index_cast %scan3A_24 : i32 to index
        %swap3A_188 = arith.constant 176 : index
        %swap3A_189 = tpu.vector_load %arg5[%swap3A_187, %swap3A_188] {strides = array<i32>} : memref<32x1024xf32, #tpu.memory_space<vmem>>, vector<1x16xf32>,
        %swap3A_190 = vector.shape_cast %swap3A_189 : vector<1x16xf32> to vector<16xf32>
        %swap3A_191 = vector.shape_cast %add3A_186 : vector<16xf32> to vector<1x16xf32>
        tpu.vector_store %arg5[%swap3A_187, %swap3A_188], %swap3A_191 {strides = array<i32>} : memref<32x1024xf32, #tpu.memory_space<vmem>>, vector<1x16xf32>,
        %get3A_192 = arith.index_cast %scan3A_24 : i32 to index
        %get3A_193 = arith.constant 192 : index
        %get3A_194 = tpu.vector_load %arg5[%get3A_192, %get3A_193] {strides = array<i32>} : memref<32x1024xf32, #tpu.memory_space<vmem>>, vector<1x16xf32>,
        %get3A_195 = vector.shape_cast %get3A_194 : vector<1x16xf32> to vector<16xf32>
        %get3A_196 = arith.index_cast %scan3A_24 : i32 to index
        %get3A_197 = arith.constant 192 : index
        %get3A_198 = tpu.vector_load %arg6[%get3A_196, %get3A_197] {strides = array<i32>} : memref<32x1024xf32, #tpu.memory_space<vmem>>, vector<1x16xf32>,
        %get3A_199 = vector.shape_cast %get3A_198 : vector<1x16xf32> to vector<16xf32>
        %add3A_200 = arith.addf %get3A_195, %get3A_199 : vector<16xf32>
        %swap3A_201 = arith.index_cast %scan3A_24 : i32 to index
        %swap3A_202 = arith.constant 192 : index
        %swap3A_203 = tpu.vector_load %arg5[%swap3A_201, %swap3A_202] {strides = array<i32>} : memref<32x1024xf32, #tpu.memory_space<vmem>>, vector<1x16xf32>,
        %swap3A_204 = vector.shape_cast %swap3A_203 : vector<1x16xf32> to vector<16xf32>
        %swap3A_205 = vector.shape_cast %add3A_200 : vector<16xf32> to vector<1x16xf32>
        tpu.vector_store %arg5[%swap3A_201, %swap3A_202], %swap3A_205 {strides = array<i32>} : memref<32x1024xf32, #tpu.memory_space<vmem>>, vector<1x16xf32>,
        %get3A_206 = arith.index_cast %scan3A_24 : i32 to index
        %get3A_207 = arith.constant 208 : index
        %get3A_208 = tpu.vector_load %arg5[%get3A_206, %get3A_207] {strides = array<i32>} : memref<32x1024xf32, #tpu.memory_space<vmem>>, vector<1x16xf32>,
        %get3A_209 = vector.shape_cast %get3A_208 : vector<1x16xf32> to vector<16xf32>
        %get3A_210 = arith.index_cast %scan3A_24 : i32 to index
        %get3A_211 = arith.constant 208 : index
        %get3A_212 = tpu.vector_load %arg6[%get3A_210, %get3A_211] {strides = array<i32>} : memref<32x1024xf32, #tpu.memory_space<vmem>>, vector<1x16xf32>,
        %get3A_213 = vector.shape_cast %get3A_212 : vector<1x16xf32> to vector<16xf32>
        %add3A_214 = arith.addf %get3A_209, %get3A_213 : vector<16xf32>
        %swap3A_215 = arith.index_cast %scan3A_24 : i32 to index
        %swap3A_216 = arith.constant 208 : index
        %swap3A_217 = tpu.vector_load %arg5[%swap3A_215, %swap3A_216] {strides = array<i32>} : memref<32x1024xf32, #tpu.memory_space<vmem>>, vector<1x16xf32>,
        %swap3A_218 = vector.shape_cast %swap3A_217 : vector<1x16xf32> to vector<16xf32>
        %swap3A_219 = vector.shape_cast %add3A_214 : vector<16xf32> to vector<1x16xf32>
        tpu.vector_store %arg5[%swap3A_215, %swap3A_216], %swap3A_219 {strides = array<i32>} : memref<32x1024xf32, #tpu.memory_space<vmem>>, vector<1x16xf32>,
        %get3A_220 = arith.index_cast %scan3A_24 : i32 to index
        %get3A_221 = arith.constant 224 : index
        %get3A_222 = tpu.vector_load %arg5[%get3A_220, %get3A_221] {strides = array<i32>} : memref<32x1024xf32, #tpu.memory_space<vmem>>, vector<1x16xf32>,
        %get3A_223 = vector.shape_cast %get3A_222 : vector<1x16xf32> to vector<16xf32>
        %get3A_224 = arith.index_cast %scan3A_24 : i32 to index
        %get3A_225 = arith.constant 224 : index
        %get3A_226 = tpu.vector_load %arg6[%get3A_224, %get3A_225] {strides = array<i32>} : memref<32x1024xf32, #tpu.memory_space<vmem>>, vector<1x16xf32>,
        %get3A_227 = vector.shape_cast %get3A_226 : vector<1x16xf32> to vector<16xf32>
        %add3A_228 = arith.addf %get3A_223, %get3A_227 : vector<16xf32>
        %swap3A_229 = arith.index_cast %scan3A_24 : i32 to index
        %swap3A_230 = arith.constant 224 : index
        %swap3A_231 = tpu.vector_load %arg5[%swap3A_229, %swap3A_230] {strides = array<i32>} : memref<32x1024xf32, #tpu.memory_space<vmem>>, vector<1x16xf32>,
        %swap3A_232 = vector.shape_cast %swap3A_231 : vector<1x16xf32> to vector<16xf32>
        %swap3A_233 = vector.shape_cast %add3A_228 : vector<16xf32> to vector<1x16xf32>
        tpu.vector_store %arg5[%swap3A_229, %swap3A_230], %swap3A_233 {strides = array<i32>} : memref<32x1024xf32, #tpu.memory_space<vmem>>, vector<1x16xf32>,
        %get3A_234 = arith.index_cast %scan3A_24 : i32 to index
        %get3A_235 = arith.constant 240 : index
        %get3A_236 = tpu.vector_load %arg5[%get3A_234, %get3A_235] {strides = array<i32>} : memref<32x1024xf32, #tpu.memory_space<vmem>>, vector<1x16xf32>,
        %get3A_237 = vector.shape_cast %get3A_236 : vector<1x16xf32> to vector<16xf32>
        %get3A_238 = arith.index_cast %scan3A_24 : i32 to index
        %get3A_239 = arith.constant 240 : index
        %get3A_240 = tpu.vector_load %arg6[%get3A_238, %get3A_239] {strides = array<i32>} : memref<32x1024xf32, #tpu.memory_space<vmem>>, vector<1x16xf32>,
        %get3A_241 = vector.shape_cast %get3A_240 : vector<1x16xf32> to vector<16xf32>
        %add3A_242 = arith.addf %get3A_237, %get3A_241 : vector<16xf32>
        %swap3A_243 = arith.index_cast %scan3A_24 : i32 to index
        %swap3A_244 = arith.constant 240 : index
        %swap3A_245 = tpu.vector_load %arg5[%swap3A_243, %swap3A_244] {strides = array<i32>} : memref<32x1024xf32, #tpu.memory_space<vmem>>, vector<1x16xf32>,
        %swap3A_246 = vector.shape_cast %swap3A_245 : vector<1x16xf32> to vector<16xf32>
        %swap3A_247 = vector.shape_cast %add3A_242 : vector<16xf32> to vector<1x16xf32>
        tpu.vector_store %arg5[%swap3A_243, %swap3A_244], %swap3A_247 {strides = array<i32>} : memref<32x1024xf32, #tpu.memory_space<vmem>>, vector<1x16xf32>,
        %get3A_248 = arith.index_cast %scan3A_24 : i32 to index
        %get3A_249 = arith.constant 256 : index
        %get3A_250 = tpu.vector_load %arg5[%get3A_248, %get3A_249] {strides = array<i32>} : memref<32x1024xf32, #tpu.memory_space<vmem>>, vector<1x16xf32>,
        %get3A_251 = vector.shape_cast %get3A_250 : vector<1x16xf32> to vector<16xf32>
        %get3A_252 = arith.index_cast %scan3A_24 : i32 to index
        %get3A_253 = arith.constant 256 : index
        %get3A_254 = tpu.vector_load %arg6[%get3A_252, %get3A_253] {strides = array<i32>} : memref<32x1024xf32, #tpu.memory_space<vmem>>, vector<1x16xf32>,
        %get3A_255 = vector.shape_cast %get3A_254 : vector<1x16xf32> to vector<16xf32>
        %add3A_256 = arith.addf %get3A_251, %get3A_255 : vector<16xf32>
        %swap3A_257 = arith.index_cast %scan3A_24 : i32 to index
        %swap3A_258 = arith.constant 256 : index
        %swap3A_259 = tpu.vector_load %arg5[%swap3A_257, %swap3A_258] {strides = array<i32>} : memref<32x1024xf32, #tpu.memory_space<vmem>>, vector<1x16xf32>,
        %swap3A_260 = vector.shape_cast %swap3A_259 : vector<1x16xf32> to vector<16xf32>
        %swap3A_261 = vector.shape_cast %add3A_256 : vector<16xf32> to vector<1x16xf32>
        tpu.vector_store %arg5[%swap3A_257, %swap3A_258], %swap3A_261 {strides = array<i32>} : memref<32x1024xf32, #tpu.memory_space<vmem>>, vector<1x16xf32>,
        %get3A_262 = arith.index_cast %scan3A_24 : i32 to index
        %get3A_263 = arith.constant 272 : index
        %get3A_264 = tpu.vector_load %arg5[%get3A_262, %get3A_263] {strides = array<i32>} : memref<32x1024xf32, #tpu.memory_space<vmem>>, vector<1x16xf32>,
        %get3A_265 = vector.shape_cast %get3A_264 : vector<1x16xf32> to vector<16xf32>
        %get3A_266 = arith.index_cast %scan3A_24 : i32 to index
        %get3A_267 = arith.constant 272 : index
        %get3A_268 = tpu.vector_load %arg6[%get3A_266, %get3A_267] {strides = array<i32>} : memref<32x1024xf32, #tpu.memory_space<vmem>>, vector<1x16xf32>,
        %get3A_269 = vector.shape_cast %get3A_268 : vector<1x16xf32> to vector<16xf32>
        %add3A_270 = arith.addf %get3A_265, %get3A_269 : vector<16xf32>
        %swap3A_271 = arith.index_cast %scan3A_24 : i32 to index
        %swap3A_272 = arith.constant 272 : index
        %swap3A_273 = tpu.vector_load %arg5[%swap3A_271, %swap3A_272] {strides = array<i32>} : memref<32x1024xf32, #tpu.memory_space<vmem>>, vector<1x16xf32>,
        %swap3A_274 = vector.shape_cast %swap3A_273 : vector<1x16xf32> to vector<16xf32>
        %swap3A_275 = vector.shape_cast %add3A_270 : vector<16xf32> to vector<1x16xf32>
        tpu.vector_store %arg5[%swap3A_271, %swap3A_272], %swap3A_275 {strides = array<i32>} : memref<32x1024xf32, #tpu.memory_space<vmem>>, vector<1x16xf32>,
        %get3A_276 = arith.index_cast %scan3A_24 : i32 to index
        %get3A_277 = arith.constant 288 : index
        %get3A_278 = tpu.vector_load %arg5[%get3A_276, %get3A_277] {strides = array<i32>} : memref<32x1024xf32, #tpu.memory_space<vmem>>, vector<1x16xf32>,
        %get3A_279 = vector.shape_cast %get3A_278 : vector<1x16xf32> to vector<16xf32>
        %get3A_280 = arith.index_cast %scan3A_24 : i32 to index
        %get3A_281 = arith.constant 288 : index
        %get3A_282 = tpu.vector_load %arg6[%get3A_280, %get3A_281] {strides = array<i32>} : memref<32x1024xf32, #tpu.memory_space<vmem>>, vector<1x16xf32>,
        %get3A_283 = vector.shape_cast %get3A_282 : vector<1x16xf32> to vector<16xf32>
        %add3A_284 = arith.addf %get3A_279, %get3A_283 : vector<16xf32>
        %swap3A_285 = arith.index_cast %scan3A_24 : i32 to index
        %swap3A_286 = arith.constant 288 : index
        %swap3A_287 = tpu.vector_load %arg5[%swap3A_285, %swap3A_286] {strides = array<i32>} : memref<32x1024xf32, #tpu.memory_space<vmem>>, vector<1x16xf32>,
        %swap3A_288 = vector.shape_cast %swap3A_287 : vector<1x16xf32> to vector<16xf32>
        %swap3A_289 = vector.shape_cast %add3A_284 : vector<16xf32> to vector<1x16xf32>
        tpu.vector_store %arg5[%swap3A_285, %swap3A_286], %swap3A_289 {strides = array<i32>} : memref<32x1024xf32, #tpu.memory_space<vmem>>, vector<1x16xf32>,
        %get3A_290 = arith.index_cast %scan3A_24 : i32 to index
        %get3A_291 = arith.constant 304 : index
        %get3A_292 = tpu.vector_load %arg5[%get3A_290, %get3A_291] {strides = array<i32>} : memref<32x1024xf32, #tpu.memory_space<vmem>>, vector<1x16xf32>,
        %get3A_293 = vector.shape_cast %get3A_292 : vector<1x16xf32> to vector<16xf32>
        %get3A_294 = arith.index_cast %scan3A_24 : i32 to index
        %get3A_295 = arith.constant 304 : index
        %get3A_296 = tpu.vector_load %arg6[%get3A_294, %get3A_295] {strides = array<i32>} : memref<32x1024xf32, #tpu.memory_space<vmem>>, vector<1x16xf32>,
        %get3A_297 = vector.shape_cast %get3A_296 : vector<1x16xf32> to vector<16xf32>
        %add3A_298 = arith.addf %get3A_293, %get3A_297 : vector<16xf32>
        %swap3A_299 = arith.index_cast %scan3A_24 : i32 to index
        %swap3A_300 = arith.constant 304 : index
        %swap3A_301 = tpu.vector_load %arg5[%swap3A_299, %swap3A_300] {strides = array<i32>} : memref<32x1024xf32, #tpu.memory_space<vmem>>, vector<1x16xf32>,
        %swap3A_302 = vector.shape_cast %swap3A_301 : vector<1x16xf32> to vector<16xf32>
        %swap3A_303 = vector.shape_cast %add3A_298 : vector<16xf32> to vector<1x16xf32>
        tpu.vector_store %arg5[%swap3A_299, %swap3A_300], %swap3A_303 {strides = array<i32>} : memref<32x1024xf32, #tpu.memory_space<vmem>>, vector<1x16xf32>,
        %get3A_304 = arith.index_cast %scan3A_24 : i32 to index
        %get3A_305 = arith.constant 320 : index
        %get3A_306 = tpu.vector_load %arg5[%get3A_304, %get3A_305] {strides = array<i32>} : memref<32x1024xf32, #tpu.memory_space<vmem>>, vector<1x16xf32>,
        %get3A_307 = vector.shape_cast %get3A_306 : vector<1x16xf32> to vector<16xf32>
        %get3A_308 = arith.index_cast %scan3A_24 : i32 to index
        %get3A_309 = arith.constant 320 : index
        %get3A_310 = tpu.vector_load %arg6[%get3A_308, %get3A_309] {strides = array<i32>} : memref<32x1024xf32, #tpu.memory_space<vmem>>, vector<1x16xf32>,
        %get3A_311 = vector.shape_cast %get3A_310 : vector<1x16xf32> to vector<16xf32>
        %add3A_312 = arith.addf %get3A_307, %get3A_311 : vector<16xf32>
        %swap3A_313 = arith.index_cast %scan3A_24 : i32 to index
        %swap3A_314 = arith.constant 320 : index
        %swap3A_315 = tpu.vector_load %arg5[%swap3A_313, %swap3A_314] {strides = array<i32>} : memref<32x1024xf32, #tpu.memory_space<vmem>>, vector<1x16xf32>,
        %swap3A_316 = vector.shape_cast %swap3A_315 : vector<1x16xf32> to vector<16xf32>
        %swap3A_317 = vector.shape_cast %add3A_312 : vector<16xf32> to vector<1x16xf32>
        tpu.vector_store %arg5[%swap3A_313, %swap3A_314], %swap3A_317 {strides = array<i32>} : memref<32x1024xf32, #tpu.memory_space<vmem>>, vector<1x16xf32>,
        %get3A_318 = arith.index_cast %scan3A_24 : i32 to index
        %get3A_319 = arith.constant 336 : index
        %get3A_320 = tpu.vector_load %arg5[%get3A_318, %get3A_319] {strides = array<i32>} : memref<32x1024xf32, #tpu.memory_space<vmem>>, vector<1x16xf32>,
        %get3A_321 = vector.shape_cast %get3A_320 : vector<1x16xf32> to vector<16xf32>
        %get3A_322 = arith.index_cast %scan3A_24 : i32 to index
        %get3A_323 = arith.constant 336 : index
        %get3A_324 = tpu.vector_load %arg6[%get3A_322, %get3A_323] {strides = array<i32>} : memref<32x1024xf32, #tpu.memory_space<vmem>>, vector<1x16xf32>,
        %get3A_325 = vector.shape_cast %get3A_324 : vector<1x16xf32> to vector<16xf32>
        %add3A_326 = arith.addf %get3A_321, %get3A_325 : vector<16xf32>
        %swap3A_327 = arith.index_cast %scan3A_24 : i32 to index
        %swap3A_328 = arith.constant 336 : index
        %swap3A_329 = tpu.vector_load %arg5[%swap3A_327, %swap3A_328] {strides = array<i32>} : memref<32x1024xf32, #tpu.memory_space<vmem>>, vector<1x16xf32>,
        %swap3A_330 = vector.shape_cast %swap3A_329 : vector<1x16xf32> to vector<16xf32>
        %swap3A_331 = vector.shape_cast %add3A_326 : vector<16xf32> to vector<1x16xf32>
        tpu.vector_store %arg5[%swap3A_327, %swap3A_328], %swap3A_331 {strides = array<i32>} : memref<32x1024xf32, #tpu.memory_space<vmem>>, vector<1x16xf32>,
        %get3A_332 = arith.index_cast %scan3A_24 : i32 to index
        %get3A_333 = arith.constant 352 : index
        %get3A_334 = tpu.vector_load %arg5[%get3A_332, %get3A_333] {strides = array<i32>} : memref<32x1024xf32, #tpu.memory_space<vmem>>, vector<1x16xf32>,
        %get3A_335 = vector.shape_cast %get3A_334 : vector<1x16xf32> to vector<16xf32>
        %get3A_336 = arith.index_cast %scan3A_24 : i32 to index
        %get3A_337 = arith.constant 352 : index
        %get3A_338 = tpu.vector_load %arg6[%get3A_336, %get3A_337] {strides = array<i32>} : memref<32x1024xf32, #tpu.memory_space<vmem>>, vector<1x16xf32>,
        %get3A_339 = vector.shape_cast %get3A_338 : vector<1x16xf32> to vector<16xf32>
        %add3A_340 = arith.addf %get3A_335, %get3A_339 : vector<16xf32>
        %swap3A_341 = arith.index_cast %scan3A_24 : i32 to index
        %swap3A_342 = arith.constant 352 : index
        %swap3A_343 = tpu.vector_load %arg5[%swap3A_341, %swap3A_342] {strides = array<i32>} : memref<32x1024xf32, #tpu.memory_space<vmem>>, vector<1x16xf32>,
        %swap3A_344 = vector.shape_cast %swap3A_343 : vector<1x16xf32> to vector<16xf32>
        %swap3A_345 = vector.shape_cast %add3A_340 : vector<16xf32> to vector<1x16xf32>
        tpu.vector_store %arg5[%swap3A_341, %swap3A_342], %swap3A_345 {strides = array<i32>} : memref<32x1024xf32, #tpu.memory_space<vmem>>, vector<1x16xf32>,
        %get3A_346 = arith.index_cast %scan3A_24 : i32 to index
        %get3A_347 = arith.constant 368 : index
        %get3A_348 = tpu.vector_load %arg5[%get3A_346, %get3A_347] {strides = array<i32>} : memref<32x1024xf32, #tpu.memory_space<vmem>>, vector<1x16xf32>,
        %get3A_349 = vector.shape_cast %get3A_348 : vector<1x16xf32> to vector<16xf32>
        %get3A_350 = arith.index_cast %scan3A_24 : i32 to index
        %get3A_351 = arith.constant 368 : index
        %get3A_352 = tpu.vector_load %arg6[%get3A_350, %get3A_351] {strides = array<i32>} : memref<32x1024xf32, #tpu.memory_space<vmem>>, vector<1x16xf32>,
        %get3A_353 = vector.shape_cast %get3A_352 : vector<1x16xf32> to vector<16xf32>
        %add3A_354 = arith.addf %get3A_349, %get3A_353 : vector<16xf32>
        %swap3A_355 = arith.index_cast %scan3A_24 : i32 to index
        %swap3A_356 = arith.constant 368 : index
        %swap3A_357 = tpu.vector_load %arg5[%swap3A_355, %swap3A_356] {strides = array<i32>} : memref<32x1024xf32, #tpu.memory_space<vmem>>, vector<1x16xf32>,
        %swap3A_358 = vector.shape_cast %swap3A_357 : vector<1x16xf32> to vector<16xf32>
        %swap3A_359 = vector.shape_cast %add3A_354 : vector<16xf32> to vector<1x16xf32>
        tpu.vector_store %arg5[%swap3A_355, %swap3A_356], %swap3A_359 {strides = array<i32>} : memref<32x1024xf32, #tpu.memory_space<vmem>>, vector<1x16xf32>,
        %get3A_360 = arith.index_cast %scan3A_24 : i32 to index
        %get3A_361 = arith.constant 384 : index
        %get3A_362 = tpu.vector_load %arg5[%get3A_360, %get3A_361] {strides = array<i32>} : memref<32x1024xf32, #tpu.memory_space<vmem>>, vector<1x16xf32>,
        %get3A_363 = vector.shape_cast %get3A_362 : vector<1x16xf32> to vector<16xf32>
        %get3A_364 = arith.index_cast %scan3A_24 : i32 to index
        %get3A_365 = arith.constant 384 : index
        %get3A_366 = tpu.vector_load %arg6[%get3A_364, %get3A_365] {strides = array<i32>} : memref<32x1024xf32, #tpu.memory_space<vmem>>, vector<1x16xf32>,
        %get3A_367 = vector.shape_cast %get3A_366 : vector<1x16xf32> to vector<16xf32>
        %add3A_368 = arith.addf %get3A_363, %get3A_367 : vector<16xf32>
        %swap3A_369 = arith.index_cast %scan3A_24 : i32 to index
        %swap3A_370 = arith.constant 384 : index
        %swap3A_371 = tpu.vector_load %arg5[%swap3A_369, %swap3A_370] {strides = array<i32>} : memref<32x1024xf32, #tpu.memory_space<vmem>>, vector<1x16xf32>,
        %swap3A_372 = vector.shape_cast %swap3A_371 : vector<1x16xf32> to vector<16xf32>
        %swap3A_373 = vector.shape_cast %add3A_368 : vector<16xf32> to vector<1x16xf32>
        tpu.vector_store %arg5[%swap3A_369, %swap3A_370], %swap3A_373 {strides = array<i32>} : memref<32x1024xf32, #tpu.memory_space<vmem>>, vector<1x16xf32>,
        %get3A_374 = arith.index_cast %scan3A_24 : i32 to index
        %get3A_375 = arith.constant 400 : index
        %get3A_376 = tpu.vector_load %arg5[%get3A_374, %get3A_375] {strides = array<i32>} : memref<32x1024xf32, #tpu.memory_space<vmem>>, vector<1x16xf32>,
        %get3A_377 = vector.shape_cast %get3A_376 : vector<1x16xf32> to vector<16xf32>
        %get3A_378 = arith.index_cast %scan3A_24 : i32 to index
        %get3A_379 = arith.constant 400 : index
        %get3A_380 = tpu.vector_load %arg6[%get3A_378, %get3A_379] {strides = array<i32>} : memref<32x1024xf32, #tpu.memory_space<vmem>>, vector<1x16xf32>,
        %get3A_381 = vector.shape_cast %get3A_380 : vector<1x16xf32> to vector<16xf32>
        %add3A_382 = arith.addf %get3A_377, %get3A_381 : vector<16xf32>
        %swap3A_383 = arith.index_cast %scan3A_24 : i32 to index
        %swap3A_384 = arith.constant 400 : index
        %swap3A_385 = tpu.vector_load %arg5[%swap3A_383, %swap3A_384] {strides = array<i32>} : memref<32x1024xf32, #tpu.memory_space<vmem>>, vector<1x16xf32>,
        %swap3A_386 = vector.shape_cast %swap3A_385 : vector<1x16xf32> to vector<16xf32>
        %swap3A_387 = vector.shape_cast %add3A_382 : vector<16xf32> to vector<1x16xf32>
        tpu.vector_store %arg5[%swap3A_383, %swap3A_384], %swap3A_387 {strides = array<i32>} : memref<32x1024xf32, #tpu.memory_space<vmem>>, vector<1x16xf32>,
        %get3A_388 = arith.index_cast %scan3A_24 : i32 to index
        %get3A_389 = arith.constant 416 : index
        %get3A_390 = tpu.vector_load %arg5[%get3A_388, %get3A_389] {strides = array<i32>} : memref<32x1024xf32, #tpu.memory_space<vmem>>, vector<1x16xf32>,
        %get3A_391 = vector.shape_cast %get3A_390 : vector<1x16xf32> to vector<16xf32>
        %get3A_392 = arith.index_cast %scan3A_24 : i32 to index
        %get3A_393 = arith.constant 416 : index
        %get3A_394 = tpu.vector_load %arg6[%get3A_392, %get3A_393] {strides = array<i32>} : memref<32x1024xf32, #tpu.memory_space<vmem>>, vector<1x16xf32>,
        %get3A_395 = vector.shape_cast %get3A_394 : vector<1x16xf32> to vector<16xf32>
        %add3A_396 = arith.addf %get3A_391, %get3A_395 : vector<16xf32>
        %swap3A_397 = arith.index_cast %scan3A_24 : i32 to index
        %swap3A_398 = arith.constant 416 : index
        %swap3A_399 = tpu.vector_load %arg5[%swap3A_397, %swap3A_398] {strides = array<i32>} : memref<32x1024xf32, #tpu.memory_space<vmem>>, vector<1x16xf32>,
        %swap3A_400 = vector.shape_cast %swap3A_399 : vector<1x16xf32> to vector<16xf32>
        %swap3A_401 = vector.shape_cast %add3A_396 : vector<16xf32> to vector<1x16xf32>
        tpu.vector_store %arg5[%swap3A_397, %swap3A_398], %swap3A_401 {strides = array<i32>} : memref<32x1024xf32, #tpu.memory_space<vmem>>, vector<1x16xf32>,
        %get3A_402 = arith.index_cast %scan3A_24 : i32 to index
        %get3A_403 = arith.constant 432 : index
        %get3A_404 = tpu.vector_load %arg5[%get3A_402, %get3A_403] {strides = array<i32>} : memref<32x1024xf32, #tpu.memory_space<vmem>>, vector<1x16xf32>,
        %get3A_405 = vector.shape_cast %get3A_404 : vector<1x16xf32> to vector<16xf32>
        %get3A_406 = arith.index_cast %scan3A_24 : i32 to index
        %get3A_407 = arith.constant 432 : index
        %get3A_408 = tpu.vector_load %arg6[%get3A_406, %get3A_407] {strides = array<i32>} : memref<32x1024xf32, #tpu.memory_space<vmem>>, vector<1x16xf32>,
        %get3A_409 = vector.shape_cast %get3A_408 : vector<1x16xf32> to vector<16xf32>
        %add3A_410 = arith.addf %get3A_405, %get3A_409 : vector<16xf32>
        %swap3A_411 = arith.index_cast %scan3A_24 : i32 to index
        %swap3A_412 = arith.constant 432 : index
        %swap3A_413 = tpu.vector_load %arg5[%swap3A_411, %swap3A_412] {strides = array<i32>} : memref<32x1024xf32, #tpu.memory_space<vmem>>, vector<1x16xf32>,
        %swap3A_414 = vector.shape_cast %swap3A_413 : vector<1x16xf32> to vector<16xf32>
        %swap3A_415 = vector.shape_cast %add3A_410 : vector<16xf32> to vector<1x16xf32>
        tpu.vector_store %arg5[%swap3A_411, %swap3A_412], %swap3A_415 {strides = array<i32>} : memref<32x1024xf32, #tpu.memory_space<vmem>>, vector<1x16xf32>,
        %get3A_416 = arith.index_cast %scan3A_24 : i32 to index
        %get3A_417 = arith.constant 448 : index
        %get3A_418 = tpu.vector_load %arg5[%get3A_416, %get3A_417] {strides = array<i32>} : memref<32x1024xf32, #tpu.memory_space<vmem>>, vector<1x16xf32>,
        %get3A_419 = vector.shape_cast %get3A_418 : vector<1x16xf32> to vector<16xf32>
        %get3A_420 = arith.index_cast %scan3A_24 : i32 to index
        %get3A_421 = arith.constant 448 : index
        %get3A_422 = tpu.vector_load %arg6[%get3A_420, %get3A_421] {strides = array<i32>} : memref<32x1024xf32, #tpu.memory_space<vmem>>, vector<1x16xf32>,
        %get3A_423 = vector.shape_cast %get3A_422 : vector<1x16xf32> to vector<16xf32>
        %add3A_424 = arith.addf %get3A_419, %get3A_423 : vector<16xf32>
        %swap3A_425 = arith.index_cast %scan3A_24 : i32 to index
        %swap3A_426 = arith.constant 448 : index
        %swap3A_427 = tpu.vector_load %arg5[%swap3A_425, %swap3A_426] {strides = array<i32>} : memref<32x1024xf32, #tpu.memory_space<vmem>>, vector<1x16xf32>,
        %swap3A_428 = vector.shape_cast %swap3A_427 : vector<1x16xf32> to vector<16xf32>
        %swap3A_429 = vector.shape_cast %add3A_424 : vector<16xf32> to vector<1x16xf32>
        tpu.vector_store %arg5[%swap3A_425, %swap3A_426], %swap3A_429 {strides = array<i32>} : memref<32x1024xf32, #tpu.memory_space<vmem>>, vector<1x16xf32>,
        %get3A_430 = arith.index_cast %scan3A_24 : i32 to index
        %get3A_431 = arith.constant 464 : index
        %get3A_432 = tpu.vector_load %arg5[%get3A_430, %get3A_431] {strides = array<i32>} : memref<32x1024xf32, #tpu.memory_space<vmem>>, vector<1x16xf32>,
        %get3A_433 = vector.shape_cast %get3A_432 : vector<1x16xf32> to vector<16xf32>
        %get3A_434 = arith.index_cast %scan3A_24 : i32 to index
        %get3A_435 = arith.constant 464 : index
        %get3A_436 = tpu.vector_load %arg6[%get3A_434, %get3A_435] {strides = array<i32>} : memref<32x1024xf32, #tpu.memory_space<vmem>>, vector<1x16xf32>,
        %get3A_437 = vector.shape_cast %get3A_436 : vector<1x16xf32> to vector<16xf32>
        %add3A_438 = arith.addf %get3A_433, %get3A_437 : vector<16xf32>
        %swap3A_439 = arith.index_cast %scan3A_24 : i32 to index
        %swap3A_440 = arith.constant 464 : index
        %swap3A_441 = tpu.vector_load %arg5[%swap3A_439, %swap3A_440] {strides = array<i32>} : memref<32x1024xf32, #tpu.memory_space<vmem>>, vector<1x16xf32>,
        %swap3A_442 = vector.shape_cast %swap3A_441 : vector<1x16xf32> to vector<16xf32>
        %swap3A_443 = vector.shape_cast %add3A_438 : vector<16xf32> to vector<1x16xf32>
        tpu.vector_store %arg5[%swap3A_439, %swap3A_440], %swap3A_443 {strides = array<i32>} : memref<32x1024xf32, #tpu.memory_space<vmem>>, vector<1x16xf32>,
        %get3A_444 = arith.index_cast %scan3A_24 : i32 to index
        %get3A_445 = arith.constant 480 : index
        %get3A_446 = tpu.vector_load %arg5[%get3A_444, %get3A_445] {strides = array<i32>} : memref<32x1024xf32, #tpu.memory_space<vmem>>, vector<1x16xf32>,
        %get3A_447 = vector.shape_cast %get3A_446 : vector<1x16xf32> to vector<16xf32>
        %get3A_448 = arith.index_cast %scan3A_24 : i32 to index
        %get3A_449 = arith.constant 480 : index
        %get3A_450 = tpu.vector_load %arg6[%get3A_448, %get3A_449] {strides = array<i32>} : memref<32x1024xf32, #tpu.memory_space<vmem>>, vector<1x16xf32>,
        %get3A_451 = vector.shape_cast %get3A_450 : vector<1x16xf32> to vector<16xf32>
        %add3A_452 = arith.addf %get3A_447, %get3A_451 : vector<16xf32>
        %swap3A_453 = arith.index_cast %scan3A_24 : i32 to index
        %swap3A_454 = arith.constant 480 : index
        %swap3A_455 = tpu.vector_load %arg5[%swap3A_453, %swap3A_454] {strides = array<i32>} : memref<32x1024xf32, #tpu.memory_space<vmem>>, vector<1x16xf32>,
        %swap3A_456 = vector.shape_cast %swap3A_455 : vector<1x16xf32> to vector<16xf32>
        %swap3A_457 = vector.shape_cast %add3A_452 : vector<16xf32> to vector<1x16xf32>
        tpu.vector_store %arg5[%swap3A_453, %swap3A_454], %swap3A_457 {strides = array<i32>} : memref<32x1024xf32, #tpu.memory_space<vmem>>, vector<1x16xf32>,
        %get3A_458 = arith.index_cast %scan3A_24 : i32 to index
        %get3A_459 = arith.constant 496 : index
        %get3A_460 = tpu.vector_load %arg5[%get3A_458, %get3A_459] {strides = array<i32>} : memref<32x1024xf32, #tpu.memory_space<vmem>>, vector<1x16xf32>,
        %get3A_461 = vector.shape_cast %get3A_460 : vector<1x16xf32> to vector<16xf32>
        %get3A_462 = arith.index_cast %scan3A_24 : i32 to index
        %get3A_463 = arith.constant 496 : index
        %get3A_464 = tpu.vector_load %arg6[%get3A_462, %get3A_463] {strides = array<i32>} : memref<32x1024xf32, #tpu.memory_space<vmem>>, vector<1x16xf32>,
        %get3A_465 = vector.shape_cast %get3A_464 : vector<1x16xf32> to vector<16xf32>
        %add3A_466 = arith.addf %get3A_461, %get3A_465 : vector<16xf32>
        %swap3A_467 = arith.index_cast %scan3A_24 : i32 to index
        %swap3A_468 = arith.constant 496 : index
        %swap3A_469 = tpu.vector_load %arg5[%swap3A_467, %swap3A_468] {strides = array<i32>} : memref<32x1024xf32, #tpu.memory_space<vmem>>, vector<1x16xf32>,
        %swap3A_470 = vector.shape_cast %swap3A_469 : vector<1x16xf32> to vector<16xf32>
        %swap3A_471 = vector.shape_cast %add3A_466 : vector<16xf32> to vector<1x16xf32>
        tpu.vector_store %arg5[%swap3A_467, %swap3A_468], %swap3A_471 {strides = array<i32>} : memref<32x1024xf32, #tpu.memory_space<vmem>>, vector<1x16xf32>,
        %get3A_472 = arith.index_cast %scan3A_24 : i32 to index
        %get3A_473 = arith.constant 512 : index
        %get3A_474 = tpu.vector_load %arg5[%get3A_472, %get3A_473] {strides = array<i32>} : memref<32x1024xf32, #tpu.memory_space<vmem>>, vector<1x16xf32>,
        %get3A_475 = vector.shape_cast %get3A_474 : vector<1x16xf32> to vector<16xf32>
        %get3A_476 = arith.index_cast %scan3A_24 : i32 to index
        %get3A_477 = arith.constant 512 : index
        %get3A_478 = tpu.vector_load %arg6[%get3A_476, %get3A_477] {strides = array<i32>} : memref<32x1024xf32, #tpu.memory_space<vmem>>, vector<1x16xf32>,
        %get3A_479 = vector.shape_cast %get3A_478 : vector<1x16xf32> to vector<16xf32>
        %add3A_480 = arith.addf %get3A_475, %get3A_479 : vector<16xf32>
        %swap3A_481 = arith.index_cast %scan3A_24 : i32 to index
        %swap3A_482 = arith.constant 512 : index
        %swap3A_483 = tpu.vector_load %arg5[%swap3A_481, %swap3A_482] {strides = array<i32>} : memref<32x1024xf32, #tpu.memory_space<vmem>>, vector<1x16xf32>,
        %swap3A_484 = vector.shape_cast %swap3A_483 : vector<1x16xf32> to vector<16xf32>
        %swap3A_485 = vector.shape_cast %add3A_480 : vector<16xf32> to vector<1x16xf32>
        tpu.vector_store %arg5[%swap3A_481, %swap3A_482], %swap3A_485 {strides = array<i32>} : memref<32x1024xf32, #tpu.memory_space<vmem>>, vector<1x16xf32>,
        %get3A_486 = arith.index_cast %scan3A_24 : i32 to index
        %get3A_487 = arith.constant 528 : index
        %get3A_488 = tpu.vector_load %arg5[%get3A_486, %get3A_487] {strides = array<i32>} : memref<32x1024xf32, #tpu.memory_space<vmem>>, vector<1x16xf32>,
        %get3A_489 = vector.shape_cast %get3A_488 : vector<1x16xf32> to vector<16xf32>
        %get3A_490 = arith.index_cast %scan3A_24 : i32 to index
        %get3A_491 = arith.constant 528 : index
        %get3A_492 = tpu.vector_load %arg6[%get3A_490, %get3A_491] {strides = array<i32>} : memref<32x1024xf32, #tpu.memory_space<vmem>>, vector<1x16xf32>,
        %get3A_493 = vector.shape_cast %get3A_492 : vector<1x16xf32> to vector<16xf32>
        %add3A_494 = arith.addf %get3A_489, %get3A_493 : vector<16xf32>
        %swap3A_495 = arith.index_cast %scan3A_24 : i32 to index
        %swap3A_496 = arith.constant 528 : index
        %swap3A_497 = tpu.vector_load %arg5[%swap3A_495, %swap3A_496] {strides = array<i32>} : memref<32x1024xf32, #tpu.memory_space<vmem>>, vector<1x16xf32>,
        %swap3A_498 = vector.shape_cast %swap3A_497 : vector<1x16xf32> to vector<16xf32>
        %swap3A_499 = vector.shape_cast %add3A_494 : vector<16xf32> to vector<1x16xf32>
        tpu.vector_store %arg5[%swap3A_495, %swap3A_496], %swap3A_499 {strides = array<i32>} : memref<32x1024xf32, #tpu.memory_space<vmem>>, vector<1x16xf32>,
        %get3A_500 = arith.index_cast %scan3A_24 : i32 to index
        %get3A_501 = arith.constant 544 : index
        %get3A_502 = tpu.vector_load %arg5[%get3A_500, %get3A_501] {strides = array<i32>} : memref<32x1024xf32, #tpu.memory_space<vmem>>, vector<1x16xf32>,
        %get3A_503 = vector.shape_cast %get3A_502 : vector<1x16xf32> to vector<16xf32>
        %get3A_504 = arith.index_cast %scan3A_24 : i32 to index
        %get3A_505 = arith.constant 544 : index
        %get3A_506 = tpu.vector_load %arg6[%get3A_504, %get3A_505] {strides = array<i32>} : memref<32x1024xf32, #tpu.memory_space<vmem>>, vector<1x16xf32>,
        %get3A_507 = vector.shape_cast %get3A_506 : vector<1x16xf32> to vector<16xf32>
        %add3A_508 = arith.addf %get3A_503, %get3A_507 : vector<16xf32>
        %swap3A_509 = arith.index_cast %scan3A_24 : i32 to index
        %swap3A_510 = arith.constant 544 : index
        %swap3A_511 = tpu.vector_load %arg5[%swap3A_509, %swap3A_510] {strides = array<i32>} : memref<32x1024xf32, #tpu.memory_space<vmem>>, vector<1x16xf32>,
        %swap3A_512 = vector.shape_cast %swap3A_511 : vector<1x16xf32> to vector<16xf32>
        %swap3A_513 = vector.shape_cast %add3A_508 : vector<16xf32> to vector<1x16xf32>
        tpu.vector_store %arg5[%swap3A_509, %swap3A_510], %swap3A_513 {strides = array<i32>} : memref<32x1024xf32, #tpu.memory_space<vmem>>, vector<1x16xf32>,
        %get3A_514 = arith.index_cast %scan3A_24 : i32 to index
        %get3A_515 = arith.constant 560 : index
        %get3A_516 = tpu.vector_load %arg5[%get3A_514, %get3A_515] {strides = array<i32>} : memref<32x1024xf32, #tpu.memory_space<vmem>>, vector<1x16xf32>,
        %get3A_517 = vector.shape_cast %get3A_516 : vector<1x16xf32> to vector<16xf32>
        %get3A_518 = arith.index_cast %scan3A_24 : i32 to index
        %get3A_519 = arith.constant 560 : index
        %get3A_520 = tpu.vector_load %arg6[%get3A_518, %get3A_519] {strides = array<i32>} : memref<32x1024xf32, #tpu.memory_space<vmem>>, vector<1x16xf32>,
        %get3A_521 = vector.shape_cast %get3A_520 : vector<1x16xf32> to vector<16xf32>
        %add3A_522 = arith.addf %get3A_517, %get3A_521 : vector<16xf32>
        %swap3A_523 = arith.index_cast %scan3A_24 : i32 to index
        %swap3A_524 = arith.constant 560 : index
        %swap3A_525 = tpu.vector_load %arg5[%swap3A_523, %swap3A_524] {strides = array<i32>} : memref<32x1024xf32, #tpu.memory_space<vmem>>, vector<1x16xf32>,
        %swap3A_526 = vector.shape_cast %swap3A_525 : vector<1x16xf32> to vector<16xf32>
        %swap3A_527 = vector.shape_cast %add3A_522 : vector<16xf32> to vector<1x16xf32>
        tpu.vector_store %arg5[%swap3A_523, %swap3A_524], %swap3A_527 {strides = array<i32>} : memref<32x1024xf32, #tpu.memory_space<vmem>>, vector<1x16xf32>,
        %get3A_528 = arith.index_cast %scan3A_24 : i32 to index
        %get3A_529 = arith.constant 576 : index
        %get3A_530 = tpu.vector_load %arg5[%get3A_528, %get3A_529] {strides = array<i32>} : memref<32x1024xf32, #tpu.memory_space<vmem>>, vector<1x16xf32>,
        %get3A_531 = vector.shape_cast %get3A_530 : vector<1x16xf32> to vector<16xf32>
        %get3A_532 = arith.index_cast %scan3A_24 : i32 to index
        %get3A_533 = arith.constant 576 : index
        %get3A_534 = tpu.vector_load %arg6[%get3A_532, %get3A_533] {strides = array<i32>} : memref<32x1024xf32, #tpu.memory_space<vmem>>, vector<1x16xf32>,
        %get3A_535 = vector.shape_cast %get3A_534 : vector<1x16xf32> to vector<16xf32>
        %add3A_536 = arith.addf %get3A_531, %get3A_535 : vector<16xf32>
        %swap3A_537 = arith.index_cast %scan3A_24 : i32 to index
        %swap3A_538 = arith.constant 576 : index
        %swap3A_539 = tpu.vector_load %arg5[%swap3A_537, %swap3A_538] {strides = array<i32>} : memref<32x1024xf32, #tpu.memory_space<vmem>>, vector<1x16xf32>,
        %swap3A_540 = vector.shape_cast %swap3A_539 : vector<1x16xf32> to vector<16xf32>
        %swap3A_541 = vector.shape_cast %add3A_536 : vector<16xf32> to vector<1x16xf32>
        tpu.vector_store %arg5[%swap3A_537, %swap3A_538], %swap3A_541 {strides = array<i32>} : memref<32x1024xf32, #tpu.memory_space<vmem>>, vector<1x16xf32>,
        %get3A_542 = arith.index_cast %scan3A_24 : i32 to index
        %get3A_543 = arith.constant 592 : index
        %get3A_544 = tpu.vector_load %arg5[%get3A_542, %get3A_543] {strides = array<i32>} : memref<32x1024xf32, #tpu.memory_space<vmem>>, vector<1x16xf32>,
        %get3A_545 = vector.shape_cast %get3A_544 : vector<1x16xf32> to vector<16xf32>
        %get3A_546 = arith.index_cast %scan3A_24 : i32 to index
        %get3A_547 = arith.constant 592 : index
        %get3A_548 = tpu.vector_load %arg6[%get3A_546, %get3A_547] {strides = array<i32>} : memref<32x1024xf32, #tpu.memory_space<vmem>>, vector<1x16xf32>,
        %get3A_549 = vector.shape_cast %get3A_548 : vector<1x16xf32> to vector<16xf32>
        %add3A_550 = arith.addf %get3A_545, %get3A_549 : vector<16xf32>
        %swap3A_551 = arith.index_cast %scan3A_24 : i32 to index
        %swap3A_552 = arith.constant 592 : index
        %swap3A_553 = tpu.vector_load %arg5[%swap3A_551, %swap3A_552] {strides = array<i32>} : memref<32x1024xf32, #tpu.memory_space<vmem>>, vector<1x16xf32>,
        %swap3A_554 = vector.shape_cast %swap3A_553 : vector<1x16xf32> to vector<16xf32>
        %swap3A_555 = vector.shape_cast %add3A_550 : vector<16xf32> to vector<1x16xf32>
        tpu.vector_store %arg5[%swap3A_551, %swap3A_552], %swap3A_555 {strides = array<i32>} : memref<32x1024xf32, #tpu.memory_space<vmem>>, vector<1x16xf32>,
        %get3A_556 = arith.index_cast %scan3A_24 : i32 to index
        %get3A_557 = arith.constant 608 : index
        %get3A_558 = tpu.vector_load %arg5[%get3A_556, %get3A_557] {strides = array<i32>} : memref<32x1024xf32, #tpu.memory_space<vmem>>, vector<1x16xf32>,
        %get3A_559 = vector.shape_cast %get3A_558 : vector<1x16xf32> to vector<16xf32>
        %get3A_560 = arith.index_cast %scan3A_24 : i32 to index
        %get3A_561 = arith.constant 608 : index
        %get3A_562 = tpu.vector_load %arg6[%get3A_560, %get3A_561] {strides = array<i32>} : memref<32x1024xf32, #tpu.memory_space<vmem>>, vector<1x16xf32>,
        %get3A_563 = vector.shape_cast %get3A_562 : vector<1x16xf32> to vector<16xf32>
        %add3A_564 = arith.addf %get3A_559, %get3A_563 : vector<16xf32>
        %swap3A_565 = arith.index_cast %scan3A_24 : i32 to index
        %swap3A_566 = arith.constant 608 : index
        %swap3A_567 = tpu.vector_load %arg5[%swap3A_565, %swap3A_566] {strides = array<i32>} : memref<32x1024xf32, #tpu.memory_space<vmem>>, vector<1x16xf32>,
        %swap3A_568 = vector.shape_cast %swap3A_567 : vector<1x16xf32> to vector<16xf32>
        %swap3A_569 = vector.shape_cast %add3A_564 : vector<16xf32> to vector<1x16xf32>
        tpu.vector_store %arg5[%swap3A_565, %swap3A_566], %swap3A_569 {strides = array<i32>} : memref<32x1024xf32, #tpu.memory_space<vmem>>, vector<1x16xf32>,
        %get3A_570 = arith.index_cast %scan3A_24 : i32 to index
        %get3A_571 = arith.constant 624 : index
        %get3A_572 = tpu.vector_load %arg5[%get3A_570, %get3A_571] {strides = array<i32>} : memref<32x1024xf32, #tpu.memory_space<vmem>>, vector<1x16xf32>,
        %get3A_573 = vector.shape_cast %get3A_572 : vector<1x16xf32> to vector<16xf32>
        %get3A_574 = arith.index_cast %scan3A_24 : i32 to index
        %get3A_575 = arith.constant 624 : index
        %get3A_576 = tpu.vector_load %arg6[%get3A_574, %get3A_575] {strides = array<i32>} : memref<32x1024xf32, #tpu.memory_space<vmem>>, vector<1x16xf32>,
        %get3A_577 = vector.shape_cast %get3A_576 : vector<1x16xf32> to vector<16xf32>
        %add3A_578 = arith.addf %get3A_573, %get3A_577 : vector<16xf32>
        %swap3A_579 = arith.index_cast %scan3A_24 : i32 to index
        %swap3A_580 = arith.constant 624 : index
        %swap3A_581 = tpu.vector_load %arg5[%swap3A_579, %swap3A_580] {strides = array<i32>} : memref<32x1024xf32, #tpu.memory_space<vmem>>, vector<1x16xf32>,
        %swap3A_582 = vector.shape_cast %swap3A_581 : vector<1x16xf32> to vector<16xf32>
        %swap3A_583 = vector.shape_cast %add3A_578 : vector<16xf32> to vector<1x16xf32>
        tpu.vector_store %arg5[%swap3A_579, %swap3A_580], %swap3A_583 {strides = array<i32>} : memref<32x1024xf32, #tpu.memory_space<vmem>>, vector<1x16xf32>,
        %get3A_584 = arith.index_cast %scan3A_24 : i32 to index
        %get3A_585 = arith.constant 640 : index
        %get3A_586 = tpu.vector_load %arg5[%get3A_584, %get3A_585] {strides = array<i32>} : memref<32x1024xf32, #tpu.memory_space<vmem>>, vector<1x16xf32>,
        %get3A_587 = vector.shape_cast %get3A_586 : vector<1x16xf32> to vector<16xf32>
        %get3A_588 = arith.index_cast %scan3A_24 : i32 to index
        %get3A_589 = arith.constant 640 : index
        %get3A_590 = tpu.vector_load %arg6[%get3A_588, %get3A_589] {strides = array<i32>} : memref<32x1024xf32, #tpu.memory_space<vmem>>, vector<1x16xf32>,
        %get3A_591 = vector.shape_cast %get3A_590 : vector<1x16xf32> to vector<16xf32>
        %add3A_592 = arith.addf %get3A_587, %get3A_591 : vector<16xf32>
        %swap3A_593 = arith.index_cast %scan3A_24 : i32 to index
        %swap3A_594 = arith.constant 640 : index
        %swap3A_595 = tpu.vector_load %arg5[%swap3A_593, %swap3A_594] {strides = array<i32>} : memref<32x1024xf32, #tpu.memory_space<vmem>>, vector<1x16xf32>,
        %swap3A_596 = vector.shape_cast %swap3A_595 : vector<1x16xf32> to vector<16xf32>
        %swap3A_597 = vector.shape_cast %add3A_592 : vector<16xf32> to vector<1x16xf32>
        tpu.vector_store %arg5[%swap3A_593, %swap3A_594], %swap3A_597 {strides = array<i32>} : memref<32x1024xf32, #tpu.memory_space<vmem>>, vector<1x16xf32>,
        %get3A_598 = arith.index_cast %scan3A_24 : i32 to index
        %get3A_599 = arith.constant 656 : index
        %get3A_600 = tpu.vector_load %arg5[%get3A_598, %get3A_599] {strides = array<i32>} : memref<32x1024xf32, #tpu.memory_space<vmem>>, vector<1x16xf32>,
        %get3A_601 = vector.shape_cast %get3A_600 : vector<1x16xf32> to vector<16xf32>
        %get3A_602 = arith.index_cast %scan3A_24 : i32 to index
        %get3A_603 = arith.constant 656 : index
        %get3A_604 = tpu.vector_load %arg6[%get3A_602, %get3A_603] {strides = array<i32>} : memref<32x1024xf32, #tpu.memory_space<vmem>>, vector<1x16xf32>,
        %get3A_605 = vector.shape_cast %get3A_604 : vector<1x16xf32> to vector<16xf32>
        %add3A_606 = arith.addf %get3A_601, %get3A_605 : vector<16xf32>
        %swap3A_607 = arith.index_cast %scan3A_24 : i32 to index
        %swap3A_608 = arith.constant 656 : index
        %swap3A_609 = tpu.vector_load %arg5[%swap3A_607, %swap3A_608] {strides = array<i32>} : memref<32x1024xf32, #tpu.memory_space<vmem>>, vector<1x16xf32>,
        %swap3A_610 = vector.shape_cast %swap3A_609 : vector<1x16xf32> to vector<16xf32>
        %swap3A_611 = vector.shape_cast %add3A_606 : vector<16xf32> to vector<1x16xf32>
        tpu.vector_store %arg5[%swap3A_607, %swap3A_608], %swap3A_611 {strides = array<i32>} : memref<32x1024xf32, #tpu.memory_space<vmem>>, vector<1x16xf32>,
        %get3A_612 = arith.index_cast %scan3A_24 : i32 to index
        %get3A_613 = arith.constant 672 : index
        %get3A_614 = tpu.vector_load %arg5[%get3A_612, %get3A_613] {strides = array<i32>} : memref<32x1024xf32, #tpu.memory_space<vmem>>, vector<1x16xf32>,
        %get3A_615 = vector.shape_cast %get3A_614 : vector<1x16xf32> to vector<16xf32>
        %get3A_616 = arith.index_cast %scan3A_24 : i32 to index
        %get3A_617 = arith.constant 672 : index
        %get3A_618 = tpu.vector_load %arg6[%get3A_616, %get3A_617] {strides = array<i32>} : memref<32x1024xf32, #tpu.memory_space<vmem>>, vector<1x16xf32>,
        %get3A_619 = vector.shape_cast %get3A_618 : vector<1x16xf32> to vector<16xf32>
        %add3A_620 = arith.addf %get3A_615, %get3A_619 : vector<16xf32>
        %swap3A_621 = arith.index_cast %scan3A_24 : i32 to index
        %swap3A_622 = arith.constant 672 : index
        %swap3A_623 = tpu.vector_load %arg5[%swap3A_621, %swap3A_622] {strides = array<i32>} : memref<32x1024xf32, #tpu.memory_space<vmem>>, vector<1x16xf32>,
        %swap3A_624 = vector.shape_cast %swap3A_623 : vector<1x16xf32> to vector<16xf32>
        %swap3A_625 = vector.shape_cast %add3A_620 : vector<16xf32> to vector<1x16xf32>
        tpu.vector_store %arg5[%swap3A_621, %swap3A_622], %swap3A_625 {strides = array<i32>} : memref<32x1024xf32, #tpu.memory_space<vmem>>, vector<1x16xf32>,
        %get3A_626 = arith.index_cast %scan3A_24 : i32 to index
        %get3A_627 = arith.constant 688 : index
        %get3A_628 = tpu.vector_load %arg5[%get3A_626, %get3A_627] {strides = array<i32>} : memref<32x1024xf32, #tpu.memory_space<vmem>>, vector<1x16xf32>,
        %get3A_629 = vector.shape_cast %get3A_628 : vector<1x16xf32> to vector<16xf32>
        %get3A_630 = arith.index_cast %scan3A_24 : i32 to index
        %get3A_631 = arith.constant 688 : index
        %get3A_632 = tpu.vector_load %arg6[%get3A_630, %get3A_631] {strides = array<i32>} : memref<32x1024xf32, #tpu.memory_space<vmem>>, vector<1x16xf32>,
        %get3A_633 = vector.shape_cast %get3A_632 : vector<1x16xf32> to vector<16xf32>
        %add3A_634 = arith.addf %get3A_629, %get3A_633 : vector<16xf32>
        %swap3A_635 = arith.index_cast %scan3A_24 : i32 to index
        %swap3A_636 = arith.constant 688 : index
        %swap3A_637 = tpu.vector_load %arg5[%swap3A_635, %swap3A_636] {strides = array<i32>} : memref<32x1024xf32, #tpu.memory_space<vmem>>, vector<1x16xf32>,
        %swap3A_638 = vector.shape_cast %swap3A_637 : vector<1x16xf32> to vector<16xf32>
        %swap3A_639 = vector.shape_cast %add3A_634 : vector<16xf32> to vector<1x16xf32>
        tpu.vector_store %arg5[%swap3A_635, %swap3A_636], %swap3A_639 {strides = array<i32>} : memref<32x1024xf32, #tpu.memory_space<vmem>>, vector<1x16xf32>,
        %get3A_640 = arith.index_cast %scan3A_24 : i32 to index
        %get3A_641 = arith.constant 704 : index
        %get3A_642 = tpu.vector_load %arg5[%get3A_640, %get3A_641] {strides = array<i32>} : memref<32x1024xf32, #tpu.memory_space<vmem>>, vector<1x16xf32>,
        %get3A_643 = vector.shape_cast %get3A_642 : vector<1x16xf32> to vector<16xf32>
        %get3A_644 = arith.index_cast %scan3A_24 : i32 to index
        %get3A_645 = arith.constant 704 : index
        %get3A_646 = tpu.vector_load %arg6[%get3A_644, %get3A_645] {strides = array<i32>} : memref<32x1024xf32, #tpu.memory_space<vmem>>, vector<1x16xf32>,
        %get3A_647 = vector.shape_cast %get3A_646 : vector<1x16xf32> to vector<16xf32>
        %add3A_648 = arith.addf %get3A_643, %get3A_647 : vector<16xf32>
        %swap3A_649 = arith.index_cast %scan3A_24 : i32 to index
        %swap3A_650 = arith.constant 704 : index
        %swap3A_651 = tpu.vector_load %arg5[%swap3A_649, %swap3A_650] {strides = array<i32>} : memref<32x1024xf32, #tpu.memory_space<vmem>>, vector<1x16xf32>,
        %swap3A_652 = vector.shape_cast %swap3A_651 : vector<1x16xf32> to vector<16xf32>
        %swap3A_653 = vector.shape_cast %add3A_648 : vector<16xf32> to vector<1x16xf32>
        tpu.vector_store %arg5[%swap3A_649, %swap3A_650], %swap3A_653 {strides = array<i32>} : memref<32x1024xf32, #tpu.memory_space<vmem>>, vector<1x16xf32>,
        %get3A_654 = arith.index_cast %scan3A_24 : i32 to index
        %get3A_655 = arith.constant 720 : index
        %get3A_656 = tpu.vector_load %arg5[%get3A_654, %get3A_655] {strides = array<i32>} : memref<32x1024xf32, #tpu.memory_space<vmem>>, vector<1x16xf32>,
        %get3A_657 = vector.shape_cast %get3A_656 : vector<1x16xf32> to vector<16xf32>
        %get3A_658 = arith.index_cast %scan3A_24 : i32 to index
        %get3A_659 = arith.constant 720 : index
        %get3A_660 = tpu.vector_load %arg6[%get3A_658, %get3A_659] {strides = array<i32>} : memref<32x1024xf32, #tpu.memory_space<vmem>>, vector<1x16xf32>,
        %get3A_661 = vector.shape_cast %get3A_660 : vector<1x16xf32> to vector<16xf32>
        %add3A_662 = arith.addf %get3A_657, %get3A_661 : vector<16xf32>
        %swap3A_663 = arith.index_cast %scan3A_24 : i32 to index
        %swap3A_664 = arith.constant 720 : index
        %swap3A_665 = tpu.vector_load %arg5[%swap3A_663, %swap3A_664] {strides = array<i32>} : memref<32x1024xf32, #tpu.memory_space<vmem>>, vector<1x16xf32>,
        %swap3A_666 = vector.shape_cast %swap3A_665 : vector<1x16xf32> to vector<16xf32>
        %swap3A_667 = vector.shape_cast %add3A_662 : vector<16xf32> to vector<1x16xf32>
        tpu.vector_store %arg5[%swap3A_663, %swap3A_664], %swap3A_667 {strides = array<i32>} : memref<32x1024xf32, #tpu.memory_space<vmem>>, vector<1x16xf32>,
        %get3A_668 = arith.index_cast %scan3A_24 : i32 to index
        %get3A_669 = arith.constant 736 : index
        %get3A_670 = tpu.vector_load %arg5[%get3A_668, %get3A_669] {strides = array<i32>} : memref<32x1024xf32, #tpu.memory_space<vmem>>, vector<1x16xf32>,
        %get3A_671 = vector.shape_cast %get3A_670 : vector<1x16xf32> to vector<16xf32>
        %get3A_672 = arith.index_cast %scan3A_24 : i32 to index
        %get3A_673 = arith.constant 736 : index
        %get3A_674 = tpu.vector_load %arg6[%get3A_672, %get3A_673] {strides = array<i32>} : memref<32x1024xf32, #tpu.memory_space<vmem>>, vector<1x16xf32>,
        %get3A_675 = vector.shape_cast %get3A_674 : vector<1x16xf32> to vector<16xf32>
        %add3A_676 = arith.addf %get3A_671, %get3A_675 : vector<16xf32>
        %swap3A_677 = arith.index_cast %scan3A_24 : i32 to index
        %swap3A_678 = arith.constant 736 : index
        %swap3A_679 = tpu.vector_load %arg5[%swap3A_677, %swap3A_678] {strides = array<i32>} : memref<32x1024xf32, #tpu.memory_space<vmem>>, vector<1x16xf32>,
        %swap3A_680 = vector.shape_cast %swap3A_679 : vector<1x16xf32> to vector<16xf32>
        %swap3A_681 = vector.shape_cast %add3A_676 : vector<16xf32> to vector<1x16xf32>
        tpu.vector_store %arg5[%swap3A_677, %swap3A_678], %swap3A_681 {strides = array<i32>} : memref<32x1024xf32, #tpu.memory_space<vmem>>, vector<1x16xf32>,
        %get3A_682 = arith.index_cast %scan3A_24 : i32 to index
        %get3A_683 = arith.constant 752 : index
        %get3A_684 = tpu.vector_load %arg5[%get3A_682, %get3A_683] {strides = array<i32>} : memref<32x1024xf32, #tpu.memory_space<vmem>>, vector<1x16xf32>,
        %get3A_685 = vector.shape_cast %get3A_684 : vector<1x16xf32> to vector<16xf32>
        %get3A_686 = arith.index_cast %scan3A_24 : i32 to index
        %get3A_687 = arith.constant 752 : index
        %get3A_688 = tpu.vector_load %arg6[%get3A_686, %get3A_687] {strides = array<i32>} : memref<32x1024xf32, #tpu.memory_space<vmem>>, vector<1x16xf32>,
        %get3A_689 = vector.shape_cast %get3A_688 : vector<1x16xf32> to vector<16xf32>
        %add3A_690 = arith.addf %get3A_685, %get3A_689 : vector<16xf32>
        %swap3A_691 = arith.index_cast %scan3A_24 : i32 to index
        %swap3A_692 = arith.constant 752 : index
        %swap3A_693 = tpu.vector_load %arg5[%swap3A_691, %swap3A_692] {strides = array<i32>} : memref<32x1024xf32, #tpu.memory_space<vmem>>, vector<1x16xf32>,
        %swap3A_694 = vector.shape_cast %swap3A_693 : vector<1x16xf32> to vector<16xf32>
        %swap3A_695 = vector.shape_cast %add3A_690 : vector<16xf32> to vector<1x16xf32>
        tpu.vector_store %arg5[%swap3A_691, %swap3A_692], %swap3A_695 {strides = array<i32>} : memref<32x1024xf32, #tpu.memory_space<vmem>>, vector<1x16xf32>,
        %get3A_696 = arith.index_cast %scan3A_24 : i32 to index
        %get3A_697 = arith.constant 768 : index
        %get3A_698 = tpu.vector_load %arg5[%get3A_696, %get3A_697] {strides = array<i32>} : memref<32x1024xf32, #tpu.memory_space<vmem>>, vector<1x16xf32>,
        %get3A_699 = vector.shape_cast %get3A_698 : vector<1x16xf32> to vector<16xf32>
        %get3A_700 = arith.index_cast %scan3A_24 : i32 to index
        %get3A_701 = arith.constant 768 : index
        %get3A_702 = tpu.vector_load %arg6[%get3A_700, %get3A_701] {strides = array<i32>} : memref<32x1024xf32, #tpu.memory_space<vmem>>, vector<1x16xf32>,
        %get3A_703 = vector.shape_cast %get3A_702 : vector<1x16xf32> to vector<16xf32>
        %add3A_704 = arith.addf %get3A_699, %get3A_703 : vector<16xf32>
        %swap3A_705 = arith.index_cast %scan3A_24 : i32 to index
        %swap3A_706 = arith.constant 768 : index
        %swap3A_707 = tpu.vector_load %arg5[%swap3A_705, %swap3A_706] {strides = array<i32>} : memref<32x1024xf32, #tpu.memory_space<vmem>>, vector<1x16xf32>,
        %swap3A_708 = vector.shape_cast %swap3A_707 : vector<1x16xf32> to vector<16xf32>
        %swap3A_709 = vector.shape_cast %add3A_704 : vector<16xf32> to vector<1x16xf32>
        tpu.vector_store %arg5[%swap3A_705, %swap3A_706], %swap3A_709 {strides = array<i32>} : memref<32x1024xf32, #tpu.memory_space<vmem>>, vector<1x16xf32>,
        %get3A_710 = arith.index_cast %scan3A_24 : i32 to index
        %get3A_711 = arith.constant 784 : index
        %get3A_712 = tpu.vector_load %arg5[%get3A_710, %get3A_711] {strides = array<i32>} : memref<32x1024xf32, #tpu.memory_space<vmem>>, vector<1x16xf32>,
        %get3A_713 = vector.shape_cast %get3A_712 : vector<1x16xf32> to vector<16xf32>
        %get3A_714 = arith.index_cast %scan3A_24 : i32 to index
        %get3A_715 = arith.constant 784 : index
        %get3A_716 = tpu.vector_load %arg6[%get3A_714, %get3A_715] {strides = array<i32>} : memref<32x1024xf32, #tpu.memory_space<vmem>>, vector<1x16xf32>,
        %get3A_717 = vector.shape_cast %get3A_716 : vector<1x16xf32> to vector<16xf32>
        %add3A_718 = arith.addf %get3A_713, %get3A_717 : vector<16xf32>
        %swap3A_719 = arith.index_cast %scan3A_24 : i32 to index
        %swap3A_720 = arith.constant 784 : index
        %swap3A_721 = tpu.vector_load %arg5[%swap3A_719, %swap3A_720] {strides = array<i32>} : memref<32x1024xf32, #tpu.memory_space<vmem>>, vector<1x16xf32>,
        %swap3A_722 = vector.shape_cast %swap3A_721 : vector<1x16xf32> to vector<16xf32>
        %swap3A_723 = vector.shape_cast %add3A_718 : vector<16xf32> to vector<1x16xf32>
        tpu.vector_store %arg5[%swap3A_719, %swap3A_720], %swap3A_723 {strides = array<i32>} : memref<32x1024xf32, #tpu.memory_space<vmem>>, vector<1x16xf32>,
        %get3A_724 = arith.index_cast %scan3A_24 : i32 to index
        %get3A_725 = arith.constant 800 : index
        %get3A_726 = tpu.vector_load %arg5[%get3A_724, %get3A_725] {strides = array<i32>} : memref<32x1024xf32, #tpu.memory_space<vmem>>, vector<1x16xf32>,
        %get3A_727 = vector.shape_cast %get3A_726 : vector<1x16xf32> to vector<16xf32>
        %get3A_728 = arith.index_cast %scan3A_24 : i32 to index
        %get3A_729 = arith.constant 800 : index
        %get3A_730 = tpu.vector_load %arg6[%get3A_728, %get3A_729] {strides = array<i32>} : memref<32x1024xf32, #tpu.memory_space<vmem>>, vector<1x16xf32>,
        %get3A_731 = vector.shape_cast %get3A_730 : vector<1x16xf32> to vector<16xf32>
        %add3A_732 = arith.addf %get3A_727, %get3A_731 : vector<16xf32>
        %swap3A_733 = arith.index_cast %scan3A_24 : i32 to index
        %swap3A_734 = arith.constant 800 : index
        %swap3A_735 = tpu.vector_load %arg5[%swap3A_733, %swap3A_734] {strides = array<i32>} : memref<32x1024xf32, #tpu.memory_space<vmem>>, vector<1x16xf32>,
        %swap3A_736 = vector.shape_cast %swap3A_735 : vector<1x16xf32> to vector<16xf32>
        %swap3A_737 = vector.shape_cast %add3A_732 : vector<16xf32> to vector<1x16xf32>
        tpu.vector_store %arg5[%swap3A_733, %swap3A_734], %swap3A_737 {strides = array<i32>} : memref<32x1024xf32, #tpu.memory_space<vmem>>, vector<1x16xf32>,
        %get3A_738 = arith.index_cast %scan3A_24 : i32 to index
        %get3A_739 = arith.constant 816 : index
        %get3A_740 = tpu.vector_load %arg5[%get3A_738, %get3A_739] {strides = array<i32>} : memref<32x1024xf32, #tpu.memory_space<vmem>>, vector<1x16xf32>,
        %get3A_741 = vector.shape_cast %get3A_740 : vector<1x16xf32> to vector<16xf32>
        %get3A_742 = arith.index_cast %scan3A_24 : i32 to index
        %get3A_743 = arith.constant 816 : index
        %get3A_744 = tpu.vector_load %arg6[%get3A_742, %get3A_743] {strides = array<i32>} : memref<32x1024xf32, #tpu.memory_space<vmem>>, vector<1x16xf32>,
        %get3A_745 = vector.shape_cast %get3A_744 : vector<1x16xf32> to vector<16xf32>
        %add3A_746 = arith.addf %get3A_741, %get3A_745 : vector<16xf32>
        %swap3A_747 = arith.index_cast %scan3A_24 : i32 to index
        %swap3A_748 = arith.constant 816 : index
        %swap3A_749 = tpu.vector_load %arg5[%swap3A_747, %swap3A_748] {strides = array<i32>} : memref<32x1024xf32, #tpu.memory_space<vmem>>, vector<1x16xf32>,
        %swap3A_750 = vector.shape_cast %swap3A_749 : vector<1x16xf32> to vector<16xf32>
        %swap3A_751 = vector.shape_cast %add3A_746 : vector<16xf32> to vector<1x16xf32>
        tpu.vector_store %arg5[%swap3A_747, %swap3A_748], %swap3A_751 {strides = array<i32>} : memref<32x1024xf32, #tpu.memory_space<vmem>>, vector<1x16xf32>,
        %get3A_752 = arith.index_cast %scan3A_24 : i32 to index
        %get3A_753 = arith.constant 832 : index
        %get3A_754 = tpu.vector_load %arg5[%get3A_752, %get3A_753] {strides = array<i32>} : memref<32x1024xf32, #tpu.memory_space<vmem>>, vector<1x16xf32>,
        %get3A_755 = vector.shape_cast %get3A_754 : vector<1x16xf32> to vector<16xf32>
        %get3A_756 = arith.index_cast %scan3A_24 : i32 to index
        %get3A_757 = arith.constant 832 : index
        %get3A_758 = tpu.vector_load %arg6[%get3A_756, %get3A_757] {strides = array<i32>} : memref<32x1024xf32, #tpu.memory_space<vmem>>, vector<1x16xf32>,
        %get3A_759 = vector.shape_cast %get3A_758 : vector<1x16xf32> to vector<16xf32>
        %add3A_760 = arith.addf %get3A_755, %get3A_759 : vector<16xf32>
        %swap3A_761 = arith.index_cast %scan3A_24 : i32 to index
        %swap3A_762 = arith.constant 832 : index
        %swap3A_763 = tpu.vector_load %arg5[%swap3A_761, %swap3A_762] {strides = array<i32>} : memref<32x1024xf32, #tpu.memory_space<vmem>>, vector<1x16xf32>,
        %swap3A_764 = vector.shape_cast %swap3A_763 : vector<1x16xf32> to vector<16xf32>
        %swap3A_765 = vector.shape_cast %add3A_760 : vector<16xf32> to vector<1x16xf32>
        tpu.vector_store %arg5[%swap3A_761, %swap3A_762], %swap3A_765 {strides = array<i32>} : memref<32x1024xf32, #tpu.memory_space<vmem>>, vector<1x16xf32>,
        %get3A_766 = arith.index_cast %scan3A_24 : i32 to index
        %get3A_767 = arith.constant 848 : index
        %get3A_768 = tpu.vector_load %arg5[%get3A_766, %get3A_767] {strides = array<i32>} : memref<32x1024xf32, #tpu.memory_space<vmem>>, vector<1x16xf32>,
        %get3A_769 = vector.shape_cast %get3A_768 : vector<1x16xf32> to vector<16xf32>
        %get3A_770 = arith.index_cast %scan3A_24 : i32 to index
        %get3A_771 = arith.constant 848 : index
        %get3A_772 = tpu.vector_load %arg6[%get3A_770, %get3A_771] {strides = array<i32>} : memref<32x1024xf32, #tpu.memory_space<vmem>>, vector<1x16xf32>,
        %get3A_773 = vector.shape_cast %get3A_772 : vector<1x16xf32> to vector<16xf32>
        %add3A_774 = arith.addf %get3A_769, %get3A_773 : vector<16xf32>
        %swap3A_775 = arith.index_cast %scan3A_24 : i32 to index
        %swap3A_776 = arith.constant 848 : index
        %swap3A_777 = tpu.vector_load %arg5[%swap3A_775, %swap3A_776] {strides = array<i32>} : memref<32x1024xf32, #tpu.memory_space<vmem>>, vector<1x16xf32>,
        %swap3A_778 = vector.shape_cast %swap3A_777 : vector<1x16xf32> to vector<16xf32>
        %swap3A_779 = vector.shape_cast %add3A_774 : vector<16xf32> to vector<1x16xf32>
        tpu.vector_store %arg5[%swap3A_775, %swap3A_776], %swap3A_779 {strides = array<i32>} : memref<32x1024xf32, #tpu.memory_space<vmem>>, vector<1x16xf32>,
        %get3A_780 = arith.index_cast %scan3A_24 : i32 to index
        %get3A_781 = arith.constant 864 : index
        %get3A_782 = tpu.vector_load %arg5[%get3A_780, %get3A_781] {strides = array<i32>} : memref<32x1024xf32, #tpu.memory_space<vmem>>, vector<1x16xf32>,
        %get3A_783 = vector.shape_cast %get3A_782 : vector<1x16xf32> to vector<16xf32>
        %get3A_784 = arith.index_cast %scan3A_24 : i32 to index
        %get3A_785 = arith.constant 864 : index
        %get3A_786 = tpu.vector_load %arg6[%get3A_784, %get3A_785] {strides = array<i32>} : memref<32x1024xf32, #tpu.memory_space<vmem>>, vector<1x16xf32>,
        %get3A_787 = vector.shape_cast %get3A_786 : vector<1x16xf32> to vector<16xf32>
        %add3A_788 = arith.addf %get3A_783, %get3A_787 : vector<16xf32>
        %swap3A_789 = arith.index_cast %scan3A_24 : i32 to index
        %swap3A_790 = arith.constant 864 : index
        %swap3A_791 = tpu.vector_load %arg5[%swap3A_789, %swap3A_790] {strides = array<i32>} : memref<32x1024xf32, #tpu.memory_space<vmem>>, vector<1x16xf32>,
        %swap3A_792 = vector.shape_cast %swap3A_791 : vector<1x16xf32> to vector<16xf32>
        %swap3A_793 = vector.shape_cast %add3A_788 : vector<16xf32> to vector<1x16xf32>
        tpu.vector_store %arg5[%swap3A_789, %swap3A_790], %swap3A_793 {strides = array<i32>} : memref<32x1024xf32, #tpu.memory_space<vmem>>, vector<1x16xf32>,
        %get3A_794 = arith.index_cast %scan3A_24 : i32 to index
        %get3A_795 = arith.constant 880 : index
        %get3A_796 = tpu.vector_load %arg5[%get3A_794, %get3A_795] {strides = array<i32>} : memref<32x1024xf32, #tpu.memory_space<vmem>>, vector<1x16xf32>,
        %get3A_797 = vector.shape_cast %get3A_796 : vector<1x16xf32> to vector<16xf32>
        %get3A_798 = arith.index_cast %scan3A_24 : i32 to index
        %get3A_799 = arith.constant 880 : index
        %get3A_800 = tpu.vector_load %arg6[%get3A_798, %get3A_799] {strides = array<i32>} : memref<32x1024xf32, #tpu.memory_space<vmem>>, vector<1x16xf32>,
        %get3A_801 = vector.shape_cast %get3A_800 : vector<1x16xf32> to vector<16xf32>
        %add3A_802 = arith.addf %get3A_797, %get3A_801 : vector<16xf32>
        %swap3A_803 = arith.index_cast %scan3A_24 : i32 to index
        %swap3A_804 = arith.constant 880 : index
        %swap3A_805 = tpu.vector_load %arg5[%swap3A_803, %swap3A_804] {strides = array<i32>} : memref<32x1024xf32, #tpu.memory_space<vmem>>, vector<1x16xf32>,
        %swap3A_806 = vector.shape_cast %swap3A_805 : vector<1x16xf32> to vector<16xf32>
        %swap3A_807 = vector.shape_cast %add3A_802 : vector<16xf32> to vector<1x16xf32>
        tpu.vector_store %arg5[%swap3A_803, %swap3A_804], %swap3A_807 {strides = array<i32>} : memref<32x1024xf32, #tpu.memory_space<vmem>>, vector<1x16xf32>,
        %get3A_808 = arith.index_cast %scan3A_24 : i32 to index
        %get3A_809 = arith.constant 896 : index
        %get3A_810 = tpu.vector_load %arg5[%get3A_808, %get3A_809] {strides = array<i32>} : memref<32x1024xf32, #tpu.memory_space<vmem>>, vector<1x16xf32>,
        %get3A_811 = vector.shape_cast %get3A_810 : vector<1x16xf32> to vector<16xf32>
        %get3A_812 = arith.index_cast %scan3A_24 : i32 to index
        %get3A_813 = arith.constant 896 : index
        %get3A_814 = tpu.vector_load %arg6[%get3A_812, %get3A_813] {strides = array<i32>} : memref<32x1024xf32, #tpu.memory_space<vmem>>, vector<1x16xf32>,
        %get3A_815 = vector.shape_cast %get3A_814 : vector<1x16xf32> to vector<16xf32>
        %add3A_816 = arith.addf %get3A_811, %get3A_815 : vector<16xf32>
        %swap3A_817 = arith.index_cast %scan3A_24 : i32 to index
        %swap3A_818 = arith.constant 896 : index
        %swap3A_819 = tpu.vector_load %arg5[%swap3A_817, %swap3A_818] {strides = array<i32>} : memref<32x1024xf32, #tpu.memory_space<vmem>>, vector<1x16xf32>,
        %swap3A_820 = vector.shape_cast %swap3A_819 : vector<1x16xf32> to vector<16xf32>
        %swap3A_821 = vector.shape_cast %add3A_816 : vector<16xf32> to vector<1x16xf32>
        tpu.vector_store %arg5[%swap3A_817, %swap3A_818], %swap3A_821 {strides = array<i32>} : memref<32x1024xf32, #tpu.memory_space<vmem>>, vector<1x16xf32>,
        %get3A_822 = arith.index_cast %scan3A_24 : i32 to index
        %get3A_823 = arith.constant 912 : index
        %get3A_824 = tpu.vector_load %arg5[%get3A_822, %get3A_823] {strides = array<i32>} : memref<32x1024xf32, #tpu.memory_space<vmem>>, vector<1x16xf32>,
        %get3A_825 = vector.shape_cast %get3A_824 : vector<1x16xf32> to vector<16xf32>
        %get3A_826 = arith.index_cast %scan3A_24 : i32 to index
        %get3A_827 = arith.constant 912 : index
        %get3A_828 = tpu.vector_load %arg6[%get3A_826, %get3A_827] {strides = array<i32>} : memref<32x1024xf32, #tpu.memory_space<vmem>>, vector<1x16xf32>,
        %get3A_829 = vector.shape_cast %get3A_828 : vector<1x16xf32> to vector<16xf32>
        %add3A_830 = arith.addf %get3A_825, %get3A_829 : vector<16xf32>
        %swap3A_831 = arith.index_cast %scan3A_24 : i32 to index
        %swap3A_832 = arith.constant 912 : index
        %swap3A_833 = tpu.vector_load %arg5[%swap3A_831, %swap3A_832] {strides = array<i32>} : memref<32x1024xf32, #tpu.memory_space<vmem>>, vector<1x16xf32>,
        %swap3A_834 = vector.shape_cast %swap3A_833 : vector<1x16xf32> to vector<16xf32>
        %swap3A_835 = vector.shape_cast %add3A_830 : vector<16xf32> to vector<1x16xf32>
        tpu.vector_store %arg5[%swap3A_831, %swap3A_832], %swap3A_835 {strides = array<i32>} : memref<32x1024xf32, #tpu.memory_space<vmem>>, vector<1x16xf32>,
        %get3A_836 = arith.index_cast %scan3A_24 : i32 to index
        %get3A_837 = arith.constant 928 : index
        %get3A_838 = tpu.vector_load %arg5[%get3A_836, %get3A_837] {strides = array<i32>} : memref<32x1024xf32, #tpu.memory_space<vmem>>, vector<1x16xf32>,
        %get3A_839 = vector.shape_cast %get3A_838 : vector<1x16xf32> to vector<16xf32>
        %get3A_840 = arith.index_cast %scan3A_24 : i32 to index
        %get3A_841 = arith.constant 928 : index
        %get3A_842 = tpu.vector_load %arg6[%get3A_840, %get3A_841] {strides = array<i32>} : memref<32x1024xf32, #tpu.memory_space<vmem>>, vector<1x16xf32>,
        %get3A_843 = vector.shape_cast %get3A_842 : vector<1x16xf32> to vector<16xf32>
        %add3A_844 = arith.addf %get3A_839, %get3A_843 : vector<16xf32>
        %swap3A_845 = arith.index_cast %scan3A_24 : i32 to index
        %swap3A_846 = arith.constant 928 : index
        %swap3A_847 = tpu.vector_load %arg5[%swap3A_845, %swap3A_846] {strides = array<i32>} : memref<32x1024xf32, #tpu.memory_space<vmem>>, vector<1x16xf32>,
        %swap3A_848 = vector.shape_cast %swap3A_847 : vector<1x16xf32> to vector<16xf32>
        %swap3A_849 = vector.shape_cast %add3A_844 : vector<16xf32> to vector<1x16xf32>
        tpu.vector_store %arg5[%swap3A_845, %swap3A_846], %swap3A_849 {strides = array<i32>} : memref<32x1024xf32, #tpu.memory_space<vmem>>, vector<1x16xf32>,
        %get3A_850 = arith.index_cast %scan3A_24 : i32 to index
        %get3A_851 = arith.constant 944 : index
        %get3A_852 = tpu.vector_load %arg5[%get3A_850, %get3A_851] {strides = array<i32>} : memref<32x1024xf32, #tpu.memory_space<vmem>>, vector<1x16xf32>,
        %get3A_853 = vector.shape_cast %get3A_852 : vector<1x16xf32> to vector<16xf32>
        %get3A_854 = arith.index_cast %scan3A_24 : i32 to index
        %get3A_855 = arith.constant 944 : index
        %get3A_856 = tpu.vector_load %arg6[%get3A_854, %get3A_855] {strides = array<i32>} : memref<32x1024xf32, #tpu.memory_space<vmem>>, vector<1x16xf32>,
        %get3A_857 = vector.shape_cast %get3A_856 : vector<1x16xf32> to vector<16xf32>
        %add3A_858 = arith.addf %get3A_853, %get3A_857 : vector<16xf32>
        %swap3A_859 = arith.index_cast %scan3A_24 : i32 to index
        %swap3A_860 = arith.constant 944 : index
        %swap3A_861 = tpu.vector_load %arg5[%swap3A_859, %swap3A_860] {strides = array<i32>} : memref<32x1024xf32, #tpu.memory_space<vmem>>, vector<1x16xf32>,
        %swap3A_862 = vector.shape_cast %swap3A_861 : vector<1x16xf32> to vector<16xf32>
        %swap3A_863 = vector.shape_cast %add3A_858 : vector<16xf32> to vector<1x16xf32>
        tpu.vector_store %arg5[%swap3A_859, %swap3A_860], %swap3A_863 {strides = array<i32>} : memref<32x1024xf32, #tpu.memory_space<vmem>>, vector<1x16xf32>,
        %get3A_864 = arith.index_cast %scan3A_24 : i32 to index
        %get3A_865 = arith.constant 960 : index
        %get3A_866 = tpu.vector_load %arg5[%get3A_864, %get3A_865] {strides = array<i32>} : memref<32x1024xf32, #tpu.memory_space<vmem>>, vector<1x16xf32>,
        %get3A_867 = vector.shape_cast %get3A_866 : vector<1x16xf32> to vector<16xf32>
        %get3A_868 = arith.index_cast %scan3A_24 : i32 to index
        %get3A_869 = arith.constant 960 : index
        %get3A_870 = tpu.vector_load %arg6[%get3A_868, %get3A_869] {strides = array<i32>} : memref<32x1024xf32, #tpu.memory_space<vmem>>, vector<1x16xf32>,
        %get3A_871 = vector.shape_cast %get3A_870 : vector<1x16xf32> to vector<16xf32>
        %add3A_872 = arith.addf %get3A_867, %get3A_871 : vector<16xf32>
        %swap3A_873 = arith.index_cast %scan3A_24 : i32 to index
        %swap3A_874 = arith.constant 960 : index
        %swap3A_875 = tpu.vector_load %arg5[%swap3A_873, %swap3A_874] {strides = array<i32>} : memref<32x1024xf32, #tpu.memory_space<vmem>>, vector<1x16xf32>,
        %swap3A_876 = vector.shape_cast %swap3A_875 : vector<1x16xf32> to vector<16xf32>
        %swap3A_877 = vector.shape_cast %add3A_872 : vector<16xf32> to vector<1x16xf32>
        tpu.vector_store %arg5[%swap3A_873, %swap3A_874], %swap3A_877 {strides = array<i32>} : memref<32x1024xf32, #tpu.memory_space<vmem>>, vector<1x16xf32>,
        %get3A_878 = arith.index_cast %scan3A_24 : i32 to index
        %get3A_879 = arith.constant 976 : index
        %get3A_880 = tpu.vector_load %arg5[%get3A_878, %get3A_879] {strides = array<i32>} : memref<32x1024xf32, #tpu.memory_space<vmem>>, vector<1x16xf32>,
        %get3A_881 = vector.shape_cast %get3A_880 : vector<1x16xf32> to vector<16xf32>
        %get3A_882 = arith.index_cast %scan3A_24 : i32 to index
        %get3A_883 = arith.constant 976 : index
        %get3A_884 = tpu.vector_load %arg6[%get3A_882, %get3A_883] {strides = array<i32>} : memref<32x1024xf32, #tpu.memory_space<vmem>>, vector<1x16xf32>,
        %get3A_885 = vector.shape_cast %get3A_884 : vector<1x16xf32> to vector<16xf32>
        %add3A_886 = arith.addf %get3A_881, %get3A_885 : vector<16xf32>
        %swap3A_887 = arith.index_cast %scan3A_24 : i32 to index
        %swap3A_888 = arith.constant 976 : index
        %swap3A_889 = tpu.vector_load %arg5[%swap3A_887, %swap3A_888] {strides = array<i32>} : memref<32x1024xf32, #tpu.memory_space<vmem>>, vector<1x16xf32>,
        %swap3A_890 = vector.shape_cast %swap3A_889 : vector<1x16xf32> to vector<16xf32>
        %swap3A_891 = vector.shape_cast %add3A_886 : vector<16xf32> to vector<1x16xf32>
        tpu.vector_store %arg5[%swap3A_887, %swap3A_888], %swap3A_891 {strides = array<i32>} : memref<32x1024xf32, #tpu.memory_space<vmem>>, vector<1x16xf32>,
        %get3A_892 = arith.index_cast %scan3A_24 : i32 to index
        %get3A_893 = arith.constant 992 : index
        %get3A_894 = tpu.vector_load %arg5[%get3A_892, %get3A_893] {strides = array<i32>} : memref<32x1024xf32, #tpu.memory_space<vmem>>, vector<1x16xf32>,
        %get3A_895 = vector.shape_cast %get3A_894 : vector<1x16xf32> to vector<16xf32>
        %get3A_896 = arith.index_cast %scan3A_24 : i32 to index
        %get3A_897 = arith.constant 992 : index
        %get3A_898 = tpu.vector_load %arg6[%get3A_896, %get3A_897] {strides = array<i32>} : memref<32x1024xf32, #tpu.memory_space<vmem>>, vector<1x16xf32>,
        %get3A_899 = vector.shape_cast %get3A_898 : vector<1x16xf32> to vector<16xf32>
        %add3A_900 = arith.addf %get3A_895, %get3A_899 : vector<16xf32>
        %swap3A_901 = arith.index_cast %scan3A_24 : i32 to index
        %swap3A_902 = arith.constant 992 : index
        %swap3A_903 = tpu.vector_load %arg5[%swap3A_901, %swap3A_902] {strides = array<i32>} : memref<32x1024xf32, #tpu.memory_space<vmem>>, vector<1x16xf32>,
        %swap3A_904 = vector.shape_cast %swap3A_903 : vector<1x16xf32> to vector<16xf32>
        %swap3A_905 = vector.shape_cast %add3A_900 : vector<16xf32> to vector<1x16xf32>
        tpu.vector_store %arg5[%swap3A_901, %swap3A_902], %swap3A_905 {strides = array<i32>} : memref<32x1024xf32, #tpu.memory_space<vmem>>, vector<1x16xf32>,
        %get3A_906 = arith.index_cast %scan3A_24 : i32 to index
        %get3A_907 = arith.constant 1008 : index
        %get3A_908 = tpu.vector_load %arg5[%get3A_906, %get3A_907] {strides = array<i32>} : memref<32x1024xf32, #tpu.memory_space<vmem>>, vector<1x16xf32>,
        %get3A_909 = vector.shape_cast %get3A_908 : vector<1x16xf32> to vector<16xf32>
        %get3A_910 = arith.index_cast %scan3A_24 : i32 to index
        %get3A_911 = arith.constant 1008 : index
        %get3A_912 = tpu.vector_load %arg6[%get3A_910, %get3A_911] {strides = array<i32>} : memref<32x1024xf32, #tpu.memory_space<vmem>>, vector<1x16xf32>,
        %get3A_913 = vector.shape_cast %get3A_912 : vector<1x16xf32> to vector<16xf32>
        %add3A_914 = arith.addf %get3A_909, %get3A_913 : vector<16xf32>
        %swap3A_915 = arith.index_cast %scan3A_24 : i32 to index
        %swap3A_916 = arith.constant 1008 : index
        %swap3A_917 = tpu.vector_load %arg5[%swap3A_915, %swap3A_916] {strides = array<i32>} : memref<32x1024xf32, #tpu.memory_space<vmem>>, vector<1x16xf32>,
        %swap3A_918 = vector.shape_cast %swap3A_917 : vector<1x16xf32> to vector<16xf32>
        %swap3A_919 = vector.shape_cast %add3A_914 : vector<16xf32> to vector<1x16xf32>
        tpu.vector_store %arg5[%swap3A_915, %swap3A_916], %swap3A_919 {strides = array<i32>} : memref<32x1024xf32, #tpu.memory_space<vmem>>, vector<1x16xf32>,
        %scan3A_920 = arith.constant 0 : i32
        scf.yield %scan3A_920 : i32
      }
      %scan3A_22 = arith.constant 32 : i32
      "tpu.region"() ({
        %run_scoped3A = tpu.sem_alloc : memref<!tpu.dma_semaphore, #tpu.memory_space<semaphore_mem>>
        %dma_start3A = arith.constant 0 : i32
        %dma_start3A_24 = tpu.memref_slice %arg4[%add3A_13, %dma_start3A] : memref<4096x1024xf32, #tpu.memory_space<hbm>> -> memref<32x1024xf32, #tpu.memory_space<hbm>>
        %dma_start3A_25 = arith.constant 0 : i32
        %dma_start3A_26 = tpu.memref_slice %arg4[%add3A_13, %dma_start3A_25] : memref<4096x1024xf32, #tpu.memory_space<hbm>> -> memref<32x1024xf32, #tpu.memory_space<hbm>>
        tpu.enqueue_dma source(%arg5 : memref<32x1024xf32, #tpu.memory_space<vmem>>) target(%dma_start3A_26 : memref<32x1024xf32, #tpu.memory_space<hbm>>) target_semaphore(%run_scoped3A : memref<!tpu.dma_semaphore, #tpu.memory_space<semaphore_mem>>)
        %dma_wait3A = arith.constant 0 : i32
        %dma_wait3A_27 = tpu.memref_slice %arg4[%add3A_13, %dma_wait3A] : memref<4096x1024xf32, #tpu.memory_space<hbm>> -> memref<32x1024xf32, #tpu.memory_space<hbm>>
        %dma_wait3A_28 = arith.constant 0 : i32
        %dma_wait3A_29 = tpu.memref_slice %arg4[%add3A_13, %dma_wait3A_28] : memref<4096x1024xf32, #tpu.memory_space<hbm>> -> memref<32x1024xf32, #tpu.memory_space<hbm>>
        tpu.wait_dma2 semaphore(%run_scoped3A : memref<!tpu.dma_semaphore, #tpu.memory_space<semaphore_mem>>) src(%arg5 : memref<32x1024xf32, #tpu.memory_space<vmem>>) dst(%dma_wait3A_29 : memref<32x1024xf32, #tpu.memory_space<hbm>>)
        tpu.yield
      }) : () -> ()
      %scan3A_23 = arith.constant 0 : i32
      scf.yield %scan3A_23 : i32
    }
    %scan3A_8 = arith.constant 4 : i32
    return
  }
}

module attributes {stable_mosaic.version = 14 : i64} {
  func.func @_add_kernel(%arg0: i32, %arg1: i32, %arg2: memref<1x2048x1024xf32, #tpu.memory_space<vmem>>, %arg3: memref<2048x1024xf32, #tpu.memory_space<vmem>>, %arg4: memref<1x2048x1024xf32, #tpu.memory_space<vmem>>) attributes {dimension_semantics = [#tpu.dimension_semantics<arbitrary>, #tpu.dimension_semantics<arbitrary>], iteration_bounds = array<i64: 2, 3>, scalar_prefetch = 0 : i64, scratch_operands = 0 : i64, tpu.core_type = #tpu.core_type<tc>, window_params = [{transform_indices = @transform_0, window_bounds = array<i64: 1, 2048, 1024>}, {transform_indices = @transform_1, window_bounds = array<i64: 2048, 1024>}, {transform_indices = @transform_2, window_bounds = array<i64: 1, 2048, 1024>}]} {
    %get3A = arith.constant 0 : index
    %get3A_0 = arith.constant 0 : index
    %get3A_1 = arith.constant 0 : index
    %get3A_2 = vector.load %arg2[%get3A, %get3A_0, %get3A_1] : memref<1x2048x1024xf32, #tpu.memory_space<vmem>>, vector<1x2048x1024xf32>
    %get3A_3 = arith.constant 0 : index
    %get3A_4 = arith.constant 0 : index
    %get3A_5 = vector.load %arg3[%get3A_3, %get3A_4] : memref<2048x1024xf32, #tpu.memory_space<vmem>>, vector<2048x1024xf32>
    %broadcast_in_dim3A = vector.shape_cast %get3A_5 : vector<2048x1024xf32> to vector<1x2048x1024xf32>
    %add3A = arith.addf %get3A_2, %broadcast_in_dim3A : vector<1x2048x1024xf32>
    %swap3A = arith.constant 0 : index
    %swap3A_6 = arith.constant 0 : index
    %swap3A_7 = arith.constant 0 : index
    %swap3A_8 = vector.load %arg4[%swap3A, %swap3A_6, %swap3A_7] : memref<1x2048x1024xf32, #tpu.memory_space<vmem>>, vector<1x2048x1024xf32>
    tpu.vector_store %arg4[%swap3A, %swap3A_6, %swap3A_7], %add3A {strides = array<i32>} : memref<1x2048x1024xf32, #tpu.memory_space<vmem>>, vector<1x2048x1024xf32>,
    return
  }
  func.func @transform_0(%arg0: i32, %arg1: i32) -> (i32, i32, i32) {
    %c0_i32 = arith.constant 0 : i32
    %c0_i32_0 = arith.constant 0 : i32
    return %arg1, %arg0, %c0_i32 : i32, i32, i32
  }
  func.func @transform_1(%arg0: i32, %arg1: i32) -> (i32, i32) {
    %c0_i32 = arith.constant 0 : i32
    %c0_i32_0 = arith.constant 0 : i32
    return %arg0, %c0_i32 : i32, i32
  }
  func.func @transform_2(%arg0: i32, %arg1: i32) -> (i32, i32, i32) {
    %c0_i32 = arith.constant 0 : i32
    %c0_i32_0 = arith.constant 0 : i32
    return %arg1, %arg0, %c0_i32 : i32, i32, i32
  }
}

</mosaic_0001>

<sc_bundles>
// kernel: kernel.4.cloned.1.call-start
scs
__scs_entry_jumppad:
0x0: {  	(pc) =	sbr.rel $0x88, $3  }
0x1: {  	(tag) =	ssettag $0x0;
	lr =	simm.s32 $0x1  }
0x2: {  	[smem:$0x3F9F] =	sst lr;
	_ =	strace $0xD0000000  }
0x3: {  	_ = 	snop  }
0x4: {  	_ = 	snop  }
0x5: {  	_ = 	snop  }
0x6: {  	_ = 	snop  }
0x7: {  	_ = 	snop  }
__scs_overlays_trampoline_lowered:
0x8: {  	[smem:$0x3FAE] =	sst s0  }
0x9: {  	[smem:$0x3FAF] =	sst s1  }
0xa: {  	[smem:$0x3FB0] =	sst s2  }
0xb: {  	[smem:$0x3FB1] =	sst s3  }
0xc: {  	[smem:$0x3FB2] =	sst s4  }
0xd: {  	[smem:$0x3FB3] =	sst s5  }
0xe: {  	[smem:$0x3FB4] =	sst s6  }
0xf: {  	[smem:$0x3FB5] =	sst s7  }
0x10: {  	[smem:$0x3FB6] =	sst s8  }
0x11: {  	[smem:$0x3FB7] =	sst s9;
	s0 =	simm.s32 @!p0 $0x0  }
0x12: {  	s1 =	sld [smem:$0x3F9D];
	s0 =	simm.s32 @p0 $0x1  }
0x13: {  	[smem:$0x3FB8] =	sst s0;
	s0 =	simm.s32 @!p1 $0x0  }
0x14: {  	s2 =	sld [smem:$0x3F9C];
	s0 =	simm.s32 @p1 $0x1  }
0x15: {  	[smem:$0x3FB9] =	sst s0;
	s0 =	simm.s32 @!p2 $0x0  }
0x16: {  	s3 =	sld [smem:$0x3FDB];
	s0 =	simm.s32 @p2 $0x1  }
0x17: {  	s4 =	simm.s32 $0x1BF5;
	[smem:$0x3FBB] =	sst s0  }
0x18: {  	s0 =	sld [smem:$0x3F9E];
	_ =	swait.ge [sflag:s4], $0x0  }
0x19: {  	s7 =	sld [smem:$0x3F9F]  }
0x1a: {  	s8 =	sadd.s32 $0xFFFFE003, lr  }
0x1b: {  	s9 =	sadd.s32 $0xFFFFFEF7, lr;
	s5 =	simm.s32 $0xFFFFFFFF;
	p2 =	slt.u32 s8, $0xFFFFF086  }
0x1c: {  	p1 =	slt.u32 s9, $0xF7A;
	s5 =	simm.s32 @!p2 $0x0  }
0x1d: {  	s5 =	simm.s32 @p1 $0x1;
	p0 =	seq.s32 s7, s2  }
0x1e: {  	s7 =	smul.u32 @!p0 $0xF7A, s2;
	p2 =	seq.s32 @!p0 s5, $0x0  }
0x1f: {  	s9 =	smul.u32 $0xF7A, s1;
	s8 =	simm.s32 @!p0 $0x1BF5;
	p2 =	por !p2, p0  }
0x20: {  	[sflag:s8] =	ssyncset.s32 @!p0 $0xFFFFF086;
	s6 =	sadd.s32 @!p0 s3, s7;
	s7 =	simm.s32 @!p0 $0x108  }
0x21: {  	s3 =	sadd.s32 s3, s9;
	s6 =	sadd.s32 @!p0 $0x88, s6;
	s7 =	simm.s32 @p2 $0x1082  }
0x22: {  	[simem:s7], [sflag:s8] =	dma.local @!p0 [hbm:s6], $0xF7A  }
0x23: {  	s9 =	sor.u32 $0xD0000000, s2;
	s6 =	simm.s32 $0x108;
	_ =	swait.ge @!p0 [sflag:s8], $0x0  }
0x24: {  	s3 =	sadd.s32 $0x88, s3;
	s6 =	simm.s32 @!p1 $0x1082;
	[sflag:s4] =	ssyncset.s32 $0xFFFFF086  }
0x25: {  	[simem:s6], [sflag:s4] =	dma.local [hbm:s3], $0xF7A  }
0x26: {  	[smem:$0x3F9F] =	sst s1;
	(tag) =	ssettag s2;
	_ =	strace s9  }
0x27: {  	s1 =	sld [smem:$0x3FAF]  }
0x28: {  	s2 =	sld [smem:$0x3FB0]  }
0x29: {  	s4 =	sld [smem:$0x3FB2]  }
0x2a: {  	p0 =	seq.s32 s5, $0x0;
	s5 =	sld [smem:$0x3FB3]  }
0x2b: {  	s6 =	sld [smem:$0x3FB4]  }
0x2c: {  	s7 =	sld [smem:$0x3FB5]  }
0x2d: {  	s3 =	simm.s32 $0x108;
	s8 =	sld [smem:$0x3FB6]  }
0x2e: {  	s3 =	simm.s32 @!p0 $0x1082;
	s9 =	sld [smem:$0x3FB7]  }
0x2f: {  	lr =	sadd.s32 s0, s3;
	s0 =	sld [smem:$0x3FAE]  }
0x30: {  	s3 =	sld [smem:$0x3FB1]  }
0x31: {  	[smem:$0x3FBA] =	sst s10  }
0x32: {  	s10 =	sld [smem:$0x3FB8];
	_ =	sdelay $0x3  }
0x33: {  	p0 =	seq.s32 s10, $0x1;
	s10 =	sld [smem:$0x3FBA];
	_ =	sdelay $0x3  }
0x34: {  	[smem:$0x3FBA] =	sst s10  }
0x35: {  	s10 =	sld [smem:$0x3FB9];
	_ =	sdelay $0x3  }
0x36: {  	p1 =	seq.s32 s10, $0x1;
	s10 =	sld [smem:$0x3FBA];
	_ =	sdelay $0x3  }
0x37: {  	[smem:$0x3FBA] =	sst s10  }
0x38: {  	s10 =	sld [smem:$0x3FBB]  }
0x39: {  	_ = 	snop;
	(pc) =	sbr.ind lr, $3  }
0x3a: {  	_ = 	snop  }
0x3b: {  	_ = 	snop  }
0x3c: {  	p2 =	seq.s32 s10, $0x1;
	s10 =	sld [smem:$0x3FBA]  }
0x3d: {  	_ =	shalt  }
0x3e: {  	_ =	shalt  }
0x3f: {  	_ =	shalt  }
0x40: {  	_ =	shalt  }
0x41: {  	_ =	shalt  }
0x42: {  	_ =	shalt  }
0x43: {  	_ =	shalt  }
0x44: {  	_ =	shalt  }
0x45: {  	_ =	shalt  }
0x46: {  	_ =	shalt  }
0x47: {  	_ =	shalt  }
0x48: {  	_ =	shalt  }
0x49: {  	_ =	shalt  }
0x4a: {  	_ =	shalt  }
0x4b: {  	_ =	shalt  }
0x4c: {  	_ =	shalt  }
0x4d: {  	_ =	shalt  }
0x4e: {  	_ =	shalt  }
0x4f: {  	_ =	shalt  }
0x50: {  	_ =	shalt  }
0x51: {  	_ =	shalt  }
0x52: {  	_ =	shalt  }
0x53: {  	_ =	shalt  }
0x54: {  	_ =	shalt  }
0x55: {  	_ =	shalt  }
0x56: {  	_ =	shalt  }
0x57: {  	_ =	shalt  }
0x58: {  	_ =	shalt  }
0x59: {  	_ =	shalt  }
0x5a: {  	_ =	shalt  }
0x5b: {  	_ =	shalt  }
0x5c: {  	_ =	shalt  }
0x5d: {  	_ =	shalt  }
0x5e: {  	_ =	shalt  }
0x5f: {  	_ =	shalt  }
0x60: {  	_ =	shalt  }
0x61: {  	_ =	shalt  }
0x62: {  	_ =	shalt  }
0x63: {  	_ =	shalt  }
0x64: {  	_ =	shalt  }
0x65: {  	_ =	shalt  }
0x66: {  	_ =	shalt  }
0x67: {  	_ =	shalt  }
0x68: {  	_ =	shalt  }
0x69: {  	_ =	shalt  }
0x6a: {  	_ =	shalt  }
0x6b: {  	_ =	shalt  }
0x6c: {  	_ =	shalt  }
0x6d: {  	_ =	shalt  }
0x6e: {  	_ =	shalt  }
0x6f: {  	_ =	shalt  }
0x70: {  	_ =	shalt  }
0x71: {  	_ =	shalt  }
0x72: {  	_ =	shalt  }
0x73: {  	_ =	shalt  }
0x74: {  	_ =	shalt  }
0x75: {  	_ =	shalt  }
0x76: {  	_ =	shalt  }
0x77: {  	_ =	shalt  }
0x78: {  	_ =	shalt  }
0x79: {  	_ =	shalt  }
0x7a: {  	_ =	shalt  }
0x7b: {  	_ =	shalt  }
0x7c: {  	_ =	shalt  }
0x7d: {  	_ =	shalt  }
0x7e: {  	_ =	shalt  }
0x7f: {  	_ =	shalt  }
0x80: {  	_ =	shalt  }
0x81: {  	_ =	shalt  }
0x82: {  	_ =	shalt  }
0x83: {  	_ =	shalt  }
0x84: {  	_ =	shalt  }
0x85: {  	_ =	shalt  }
0x86: {  	_ =	shalt  }
0x87: {  	_ =	shalt  }
.Lfunc_end0:
.L_simem_size_0:
called_computation_lowered:
.L_overlay_start_0:
0x88: {  	s2 =	sld [smem:$0x3FD9]  }
0x89: {  	s3 =	sld [smem:$0x3FFE];
	_ =	sdelay $0x1  }
0x8a: {  	s1 =	srdreg.scid  }
0x8b: {  	s0 =	sand.u32 $0x1, s1  }
0x8c: {  	s17 =	sshll.u32 s0, $0xA;
	s2 =	sadd.s32 s3, s2  }
0x8d: {  	s2 =	sadd.s32 s2, s17  }
0x8e: {  	[smem:$0x3FC6] =	sst s2  }
0x8f: {  	_ = 	snop  }
0x90: {  	s2 =	sld [smem:$0x3FC9]  }
0x91: {  	s18 =	sld [smem:$0x3FC8];
	(tm) =	ssettm $0x1  }
0x92: {  	s4 =	sld [smem:$0x3FFB];
	_ =	sdelay $0x3  }
0x93: {  	_ =	strace s4  }
0x94: {  	s4 =	sld [smem:$0x3FFC];
	_ =	sdelay $0x3  }
0x95: {  	_ =	strace s4  }
0x96: {  	s4 =	sld [smem:$0x3FFD];
	_ =	sdelay $0x3  }
0x97: {  	_ =	strace s4  }
0x98: {  	_ =	strace $0x8FFFFFFF  }
0x99: {  	s19 =	sld [smem:$0x3FDB];
	_ =	sdelay $0x1  }
0x9a: {  	s5 =	simm.s32 $_scs_section_size  }
0x9b: {  	s6 =	simm.s32 $_size__tile_overlayer_lowered;
	s7 =	simm.s32 $_tile_overlayer_lowered  }
0x9c: {  	s22 =	simm.s32 $0x1BFF;
	s21 =	sshll.u32 s7, $0x1;
	s4 =	sadd.s32 s5, s19  }
0x9d: {  	s8 =	simm.s32 $0x0;
	s20 =	sshll.u32 s6, $0x1;
	s6 =	sadd.s32 s21, s4  }
0x9e: {  	[timem:s8], [sflag:s22] =	dma.local [hbm:s6], s20  }
0x9f: {  	_ =	swait.ge [sflag:s22], s20  }
0xa0: {  	s5 =	ssub.s32 $0x0, s20;
	[sflag:s22] =	ssyncset.done $0x0  }
0xa1: {  	[sflag:s22] =	ssyncadd.s32 s5;
	_ =	sdelay $0x1  }
0xa2: {  	s23 =	simm.s32 $0x1B8B  }
0xa3: {  	_ =	swait.ge [sflag:s23], $0x1  }
0xa4: {  	[sflag:s23] =	ssyncset.done $0x0  }
0xa5: {  	s25 =	simm.s32 $0x1B8E;
	s24 =	sld [smem:$0x3FFE];
	[sflag:s23] =	ssyncadd.s32 $0xFFFFFFFF  }
0xa6: {  	s26 =	simm.s32 $execute0_lowered;
	[smem:$0x3FD2] =	sst s25  }
0xa7: {  	s6 =	sshll.u32 s26, $0x1;
	_ =	strace $0x80000046;
	[dreg:$0x1] =	wrdreg $0xFFFFFFFF  }
0xa8: {  	s28 =	simm.s32 $_size_execute0_lowered;
	s4 =	sadd.s32 s4, s6;
	[dreg:$0x0] =	wrdreg $0x0  }
0xa9: {  	s6 =	sshll.u32 s28, $0x1;
	[dreg:$0x2] =	wrdreg s4  }
0xaa: {  	[dreg:$0x3] =	wrdreg s6  }
0xab: {  	[dreg:$0x4] =	wrdreg $0xC0  }
0xac: {  	_ =	task [dreg:s8], $0x5FFFF  }
0xad: {  	[dreg:$0x1] =	wrdreg $0xFFFFFFFF  }
0xae: {  	[dreg:$0x0] =	wrdreg $0x60  }
0xaf: {  	[dreg:$0x2] =	wrdreg s2  }
0xb0: {  	[dreg:$0x3] =	wrdreg s18  }
0xb1: {  	[dreg:$0x4] =	wrdreg s24  }
0xb2: {  	[dreg:$0x5] =	wrdreg $0x9  }
0xb3: {  	_ =	task.clear_ibuf [dreg:s8], $0x6FFFF;
	_ =	strace $0x90000046  }
0xb4: {  	s29 =	simm.s32 $0x9;
	_ =	strace $0x80000048  }
0xb5: {  	_ =	swait.ge [sflag:s29], $0x1  }
0xb6: {  	[sflag:s29] =	ssyncadd.s32 $0xFFFFFFFF  }
0xb7: {  	_ =	strace $0x90000048  }
0xb8: {  	_ =	sfence  }
0xb9: {  	s30 =	sld [smem:$0x0];
	_ =	sdelay $0x2  }
0xba: {  	s31 =	sshll.u32 s1, $0xD;
	s1 =	sshrl.u32 s1, $0x2  }
0xbb: {  	s3 =	sand.u32 $0x4000, s31;
	s1 =	sadd.s32 s1, s30  }
0xbc: {  	s0 =	sor.u32 s3, s0;
	s1 =	sshll.u32 s1, $0x11  }
0xbd: {  	s0 =	sor.u32 s1, s0  }
0xbe: {  	s0 =	sadd.s32 $0x8F2B, s0  }
0xbf: {  	[sflag:s0] =	ssyncadd.remote.s32 $0x1  }
0xc0: {  	_ =	sfence.sel $0xFFFF  }
0xc1: {  	[dreg:$0x0] =	wrdreg $0xFFFFFFFF;
	(pc) =	sbr.abs _section_cstart, $3  }
0xc2: {  	[dreg:$0x1] =	wrdreg $0xFFFFFFFF  }
0xc3: {  	_ =	task.clear_ibuf [dreg:s8], $0x2FFFF;
	_ =	strace $0x9FFFFFFF  }
0xc4: {  	(tm) =	ssettm $0x7FFFFFFF  }
0xc5: {  	_ =	shalt  }
tec
execute0_lowered:
.L_overlay_start_1:
0x0: {  	(tag) =	ssettag $0x1  }
0x1: {  	s6 =	rddreg [dreg:$0x0]  }
0x2: {  	s1 =	rddreg [dreg:$0x1]  }
0x3: {  	s3 =	rddreg [dreg:$0x2]  }
0x4: {  	s0 =	rddreg [dreg:$0x3]  }
0x5: {  	s2 =	simm.s32 $0x0;
	s4 =	srdreg.scid;
	s9 =	simm.s32 $0x8000  }
0x6: {  	s10 =	simm.s32 $0x0;
	[smem:$0x7FF] =	sst s2;
	s5 =	sand.u32 $0x1, s4  }
0x7: {  	s4 =	sadd.s32 $0x600, s3;
	s3 =	stileid.u32;
	s7 =	ssub.s32 $0x2, s5  }
0x8: {  	s6 =	sadd.s32 $0x180000, s6;
	_ =	strace $0x80000047;
	s8 =	sshrl.u32 s7, $0x1  }
0x9: {  	s31 =	sshll.u32 s3, $0xF;
	s5 =	sshll.u32 s5, $0xE;
	s7 =	ssub.s32 s7, s8  }
0xa: {  	s5 =	sor.u32 s5, s31;
	s8 =	simm.s32 $0x1;
	s7 =	smax.u32 s7, $0x1  }
.LBB2_1:
0xb: {  	s11 =	simm.s32 $0x0  }
.LBB2_2:
0xc: {  	s12 =	sshll.u32 s11, $0xC  }
0xd: {  	s12 =	sadd.s32 s5, s12  }
0xe: {  	s13 =	simm.s32 $0x0;
	s14 =	sadd.s32 s12, s6  }
0xf: {  	[tilespmem:s13], [sflag:$0x1] =	stream.linear.gather [hbm4b:s14+s13], $0x8000, $0x38;
	[tilespmem:$0x10000] =	vst v63  }
0x10: {  	_ =	swait.ge [sflag:s8], $0x8000  }
0x11: {  	[sflag:s8] =	ssyncset.done $0x0  }
0x12: {  	s31 =	sadd.s32 s1, s12;
	[sflag:s8] =	ssyncadd.s32 $0xFFFF8000  }
0x13: {  	[tilespmem:s9], [sflag:$0x1] =	stream.linear.gather [hbm4b:s31+s13], $0x8000, $0x38;
	[tilespmem:$0x10000] =	vst v63  }
0x14: {  	_ =	swait.ge [sflag:s8], $0x8000  }
0x15: {  	s15 =	simm.s32 $0x0;
	[sflag:s8] =	ssyncset.done $0x0  }
0x16: {  	s16 =	simm.s32 $0x0;
	s14 =	simm.s32 $0xFFFF8000;
	[sflag:s8] =	ssyncadd.s32 $0xFFFF8000  }
.LBB2_3:
0x17: {  	s17 =	sadd.s32 $0x8000, s14  }
0x18: {  	s18 =	sand.u32 $0x380, s16;
	s17 =	sand.u32 $0x6000, s17  }
0x19: {  	s17 =	sor.u32 s18, s17  }
0x1a: {  	v0 =	vld [tilespmem:s17+$0x0]  }
0x1b: {  	v1 =	vld [tilespmem:s17+$0x8000]  }
0x1c: {  	v2 =	vld [tilespmem:s17+$0x10]  }
0x1d: {  	v3 =	vld [tilespmem:s17+$0x8010]  }
0x1e: {  	v4 =	vld [tilespmem:s17+$0x20]  }
0x1f: {  	v5 =	vld [tilespmem:s17+$0x8020]  }
0x20: {  	v6 =	vld [tilespmem:s17+$0x30]  }
0x21: {  	v7 =	vld [tilespmem:s17+$0x8030]  }
0x22: {  	v8 =	vld [tilespmem:s17+$0x40]  }
0x23: {  	v9 =	vld [tilespmem:s17+$0x8040]  }
0x24: {  	v10 =	vld [tilespmem:s17+$0x50]  }
0x25: {  	v11 =	vld [tilespmem:s17+$0x8050]  }
0x26: {  	v12 =	vld [tilespmem:s17+$0x60]  }
0x27: {  	v13 =	vld [tilespmem:s17+$0x8060]  }
0x28: {  	v14 =	vld [tilespmem:s17+$0x70]  }
0x29: {  	v15 =	vld [tilespmem:s17+$0x8070]  }
0x2a: {  	v16 =	vld [tilespmem:s17+$0x400]  }
0x2b: {  	v17 =	vld [tilespmem:s17+$0x8400]  }
0x2c: {  	v18 =	vld [tilespmem:s17+$0x410]  }
0x2d: {  	v19 =	vld [tilespmem:s17+$0x8410]  }
0x2e: {  	v20 =	vld [tilespmem:s17+$0x420]  }
0x2f: {  	v21 =	vld [tilespmem:s17+$0x8420]  }
0x30: {  	v22 =	vld [tilespmem:s17+$0x430]  }
0x31: {  	v23 =	vld [tilespmem:s17+$0x8430]  }
0x32: {  	v24 =	vld [tilespmem:s17+$0x440]  }
0x33: {  	v25 =	vld [tilespmem:s17+$0x8440]  }
0x34: {  	v26 =	vld [tilespmem:s17+$0x450]  }
0x35: {  	v27 =	vld [tilespmem:s17+$0x8450]  }
0x36: {  	v28 =	vld [tilespmem:s17+$0x460]  }
0x37: {  	v29 =	vld [tilespmem:s17+$0x8460]  }
0x38: {  	v30 =	vld [tilespmem:s17+$0x470]  }
0x39: {  	v31 =	vld [tilespmem:s17+$0x8470]  }
0x3a: {  	v32 =	vld [tilespmem:s17+$0x800]  }
0x3b: {  	v33 =	vld [tilespmem:s17+$0x8800]  }
0x3c: {  	v34 =	vld [tilespmem:s17+$0x810]  }
0x3d: {  	v35 =	vld [tilespmem:s17+$0x8810]  }
0x3e: {  	v36 =	vld [tilespmem:s17+$0x820]  }
0x3f: {  	v37 =	vld [tilespmem:s17+$0x8820]  }
0x40: {  	v38 =	vld [tilespmem:s17+$0x830]  }
0x41: {  	v39 =	vld [tilespmem:s17+$0x8830]  }
0x42: {  	v40 =	vld [tilespmem:s17+$0x840]  }
0x43: {  	v41 =	vld [tilespmem:s17+$0x8840]  }
0x44: {  	v42 =	vld [tilespmem:s17+$0x850]  }
0x45: {  	v43 =	vld [tilespmem:s17+$0x8850]  }
0x46: {  	v44 =	vld [tilespmem:s17+$0x860]  }
0x47: {  	v45 =	vld [tilespmem:s17+$0x8860]  }
0x48: {  	v46 =	vld [tilespmem:s17+$0x870]  }
0x49: {  	v47 =	vld [tilespmem:s17+$0x8870]  }
0x4a: {  	v48 =	vld [tilespmem:s17+$0xC00]  }
0x4b: {  	v49 =	vld [tilespmem:s17+$0x8C00]  }
0x4c: {  	v50 =	vld [tilespmem:s17+$0xC10]  }
0x4d: {  	v51 =	vld [tilespmem:s17+$0x8C10]  }
0x4e: {  	v52 =	vld [tilespmem:s17+$0xC20]  }
0x4f: {  	v53 =	vld [tilespmem:s17+$0x8C20]  }
0x50: {  	v54 =	vld [tilespmem:s17+$0xC30]  }
0x51: {  	v55 =	vld [tilespmem:s17+$0x8C30]  }
0x52: {  	v56 =	vld [tilespmem:s17+$0xC40]  }
0x53: {  	v57 =	vld [tilespmem:s17+$0x8C40]  }
0x54: {  	v58 =	vld [tilespmem:s17+$0xC50]  }
0x55: {  	v59 =	vld [tilespmem:s17+$0x8C50]  }
0x56: {  	v60 =	vld [tilespmem:s17+$0xC60]  }
0x57: {  	v0 =	vadd.f32 v1, v0;
	v1 =	vld [tilespmem:s17+$0x8C60]  }
0x58: {  	v2 =	vadd.f32 v3, v2;
	v3 =	vld [tilespmem:s17+$0xC70]  }
0x59: {  	v63 =	vadd.f32 v5, v4;
	v4 =	vld [tilespmem:s17+$0x8C70];
	[tilespmem:s17+$0x0] =	vst v0  }
0x5a: {  	v61 =	vadd.f32 v7, v6;
	v5 =	vld [tilespmem:s17+$0x1000];
	[tilespmem:s17+$0x10] =	vst v2  }
0x5b: {  	v62 =	vadd.f32 v9, v8;
	v6 =	vld [tilespmem:s17+$0x9000];
	[tilespmem:s17+$0x20] =	vst v63  }
0x5c: {  	v7 =	vld [tilespmem:s17+$0x1010];
	v13 =	vadd.f32 v13, v12;
	[tilespmem:s17+$0x30] =	vst v61  }
0x5d: {  	v8 =	vld [tilespmem:s17+$0x9010];
	v15 =	vadd.f32 v15, v14;
	[tilespmem:s17+$0x40] =	vst v62  }
0x5e: {  	v9 =	vld [tilespmem:s17+$0x1020];
	v17 =	vadd.f32 v17, v16;
	[tilespmem:s17+$0x60] =	vst v13  }
0x5f: {  	v19 =	vadd.f32 v19, v18;
	v12 =	vld [tilespmem:s17+$0x9030];
	[tilespmem:s17+$0x70] =	vst v15  }
0x60: {  	v21 =	vadd.f32 v21, v20;
	v14 =	vld [tilespmem:s17+$0x9040];
	[tilespmem:s17+$0x400] =	vst v17  }
0x61: {  	v23 =	vadd.f32 v23, v22;
	v16 =	vld [tilespmem:s17+$0x9050];
	[tilespmem:s17+$0x410] =	vst v19  }
0x62: {  	v25 =	vadd.f32 v25, v24;
	v20 =	vld [tilespmem:s17+$0x9070];
	[tilespmem:s17+$0x420] =	vst v21  }
0x63: {  	v27 =	vadd.f32 v27, v26;
	v22 =	vld [tilespmem:s17+$0x9400];
	[tilespmem:s17+$0x430] =	vst v23  }
0x64: {  	v29 =	vadd.f32 v29, v28;
	v24 =	vld [tilespmem:s17+$0x9410];
	[tilespmem:s17+$0x440] =	vst v25  }
0x65: {  	v28 =	vadd.f32 v37, v36;
	v37 =	vld [tilespmem:s17+$0x1430];
	[tilespmem:s17+$0x450] =	vst v27  }
0x66: {  	v36 =	vadd.f32 v51, v50;
	v51 =	vld [tilespmem:s17+$0x9460];
	[tilespmem:s17+$0x460] =	vst v29  }
0x67: {  	v63 =	vadd.f32 v11, v10;
	v10 =	vld [tilespmem:s17+$0x9020];
	[tilespmem:s17+$0x820] =	vst v28  }
0x68: {  	v11 =	vld [tilespmem:s17+$0x1030];
	v61 =	vadd.f32 v31, v30;
	[tilespmem:s17+$0xC10] =	vst v36  }
0x69: {  	v13 =	vld [tilespmem:s17+$0x1040];
	v62 =	vadd.f32 v33, v32;
	[tilespmem:s17+$0x50] =	vst v63  }
0x6a: {  	v15 =	vld [tilespmem:s17+$0x1050];
	v27 =	vadd.f32 v35, v34;
	[tilespmem:s17+$0x470] =	vst v61  }
0x6b: {  	v17 =	vld [tilespmem:s17+$0x1060];
	v29 =	vadd.f32 v39, v38;
	[tilespmem:s17+$0x800] =	vst v62  }
0x6c: {  	v19 =	vld [tilespmem:s17+$0x1070];
	v30 =	vadd.f32 v41, v40;
	[tilespmem:s17+$0x810] =	vst v27  }
0x6d: {  	v21 =	vld [tilespmem:s17+$0x1400];
	v31 =	vadd.f32 v43, v42;
	[tilespmem:s17+$0x830] =	vst v29  }
0x6e: {  	v23 =	vld [tilespmem:s17+$0x1410];
	v32 =	vadd.f32 v45, v44;
	[tilespmem:s17+$0x840] =	vst v30  }
0x6f: {  	v33 =	vadd.f32 v47, v46;
	v25 =	vld [tilespmem:s17+$0x1420];
	[tilespmem:s17+$0x850] =	vst v31  }
0x70: {  	v34 =	vadd.f32 v49, v48;
	v35 =	vld [tilespmem:s17+$0x9420];
	[tilespmem:s17+$0x860] =	vst v32  }
0x71: {  	v38 =	vadd.f32 v53, v52;
	v39 =	vld [tilespmem:s17+$0x9430];
	[tilespmem:s17+$0x870] =	vst v33  }
0x72: {  	v40 =	vadd.f32 v55, v54;
	v41 =	vld [tilespmem:s17+$0x1440];
	[tilespmem:s17+$0xC00] =	vst v34  }
0x73: {  	v42 =	vadd.f32 v57, v56;
	v43 =	vld [tilespmem:s17+$0x9440];
	[tilespmem:s17+$0xC20] =	vst v38  }
0x74: {  	v44 =	vadd.f32 v59, v58;
	v45 =	vld [tilespmem:s17+$0x1450];
	[tilespmem:s17+$0xC30] =	vst v40  }
0x75: {  	v47 =	vld [tilespmem:s17+$0x9450];
	[tilespmem:s17+$0xC40] =	vst v42;
	v46 =	vadd.f32 v1, v60  }
0x76: {  	v49 =	vld [tilespmem:s17+$0x1460];
	[tilespmem:s17+$0xC50] =	vst v44;
	v48 =	vadd.f32 v4, v3  }
0x77: {  	v53 =	vld [tilespmem:s17+$0x1470];
	v50 =	vadd.f32 v6, v5;
	[tilespmem:s17+$0xC60] =	vst v46  }
0x78: {  	v55 =	vld [tilespmem:s17+$0x9470];
	v52 =	vadd.f32 v8, v7;
	[tilespmem:s17+$0xC70] =	vst v48  }
0x79: {  	v57 =	vld [tilespmem:s17+$0x1800];
	[tilespmem:s17+$0x1000] =	vst v50;
	v54 =	vadd.f32 v10, v9  }
0x7a: {  	v59 =	vld [tilespmem:s17+$0x9800];
	[tilespmem:s17+$0x1010] =	vst v52;
	v56 =	vadd.f32 v12, v11  }
0x7b: {  	v36 =	vld [tilespmem:s17+$0x9830];
	v58 =	vadd.f32 v14, v13;
	[tilespmem:s17+$0x1020] =	vst v54  }
0x7c: {  	v63 =	vld [tilespmem:s17+$0x9060];
	v60 =	vadd.f32 v16, v15;
	[tilespmem:s17+$0x1030] =	vst v56  }
0x7d: {  	v61 =	vld [tilespmem:s17+$0x1810];
	v19 =	vadd.f32 v20, v19;
	[tilespmem:s17+$0x1040] =	vst v58  }
0x7e: {  	v32 =	vld [tilespmem:s17+$0x9820];
	v22 =	vadd.f32 v22, v21;
	[tilespmem:s17+$0x1050] =	vst v60  }
0x7f: {  	v34 =	vld [tilespmem:s17+$0x1830];
	v33 =	vadd.f32 v24, v23;
	[tilespmem:s17+$0x1070] =	vst v19  }
0x80: {  	v38 =	vld [tilespmem:s17+$0x1840];
	v35 =	vadd.f32 v35, v25;
	[tilespmem:s17+$0x1400] =	vst v22  }
0x81: {  	v40 =	vld [tilespmem:s17+$0x1850];
	v37 =	vadd.f32 v39, v37;
	[tilespmem:s17+$0x1410] =	vst v33  }
0x82: {  	v20 =	vld [tilespmem:s17+$0x1820];
	v39 =	vadd.f32 v43, v41;
	[tilespmem:s17+$0x1420] =	vst v35  }
0x83: {  	v1 =	vadd.f32 v47, v45;
	v41 =	vld [tilespmem:s17+$0x9850];
	[tilespmem:s17+$0x1430] =	vst v37  }
0x84: {  	v42 =	vadd.f32 v51, v49;
	v43 =	vld [tilespmem:s17+$0x1860];
	[tilespmem:s17+$0x1440] =	vst v39  }
0x85: {  	v44 =	vadd.f32 v55, v53;
	v45 =	vld [tilespmem:s17+$0x9860];
	[tilespmem:s17+$0x1450] =	vst v1  }
0x86: {  	v46 =	vadd.f32 v59, v57;
	v47 =	vld [tilespmem:s17+$0x1870];
	[tilespmem:s17+$0x1460] =	vst v42  }
0x87: {  	v49 =	vld [tilespmem:s17+$0x9870];
	v62 =	vadd.f32 v63, v17;
	[tilespmem:s17+$0x1470] =	vst v44  }
0x88: {  	v63 =	vld [tilespmem:s17+$0x9810];
	[tilespmem:s17+$0x1800] =	vst v46;
	v52 =	vadd.f32 v36, v34  }
0x89: {  	v51 =	vld [tilespmem:s17+$0x9840];
	[tilespmem:s17+$0x1060] =	vst v62;
	v50 =	vadd.f32 v32, v20  }
0x8a: {  	[tilespmem:s17+$0x1830] =	vst v52;
	v53 =	vadd.f32 v41, v40  }
0x8b: {  	v54 =	vadd.f32 v45, v43;
	[tilespmem:s17+$0x1820] =	vst v50  }
0x8c: {  	s23 =	sand.u32 $0x7, s13;
	v55 =	vadd.f32 v49, v47;
	[tilespmem:s17+$0x1850] =	vst v53  }
0x8d: {  	s18 =	sshll.u32 s23, $0x7;
	v48 =	vadd.f32 v63, v61;
	[tilespmem:s17+$0x1860] =	vst v54  }
0x8e: {  	s18 =	sadd.s32 s18, s15;
	v56 =	vadd.f32 v51, v38;
	[tilespmem:s17+$0x1870] =	vst v55  }
0x8f: {  	s19 =	sor.u32 $0x1C00, s18;
	[tilespmem:s17+$0x1810] =	vst v48  }
0x90: {  	[tilespmem:s17+$0x1840] =	vst v56;
	v0 =	vld [tilespmem:s19+$0x0]  }
0x91: {  	v1 =	vld [tilespmem:s19+$0x8000];
	_ =	sdelay $0x4  }
0x92: {  	v0 =	vadd.f32 v1, v0;
	_ =	sdelay $0x1  }
0x93: {  	s24 =	sor.u32 $0x1C10, s18;
	[tilespmem:s19+$0x0] =	vst v0  }
0x94: {  	v0 =	vld [tilespmem:s24+$0x0]  }
0x95: {  	v57 =	vld [tilespmem:s24+$0x8000];
	_ =	sdelay $0x4  }
0x96: {  	v0 =	vadd.f32 v57, v0;
	_ =	sdelay $0x1  }
0x97: {  	s25 =	sor.u32 $0x1C20, s18;
	[tilespmem:s24+$0x0] =	vst v0  }
0x98: {  	v0 =	vld [tilespmem:s25+$0x0]  }
0x99: {  	v58 =	vld [tilespmem:s25+$0x8000];
	_ =	sdelay $0x4  }
0x9a: {  	v0 =	vadd.f32 v58, v0;
	_ =	sdelay $0x1  }
0x9b: {  	s26 =	sor.u32 $0x1C30, s18;
	[tilespmem:s25+$0x0] =	vst v0  }
0x9c: {  	v0 =	vld [tilespmem:s26+$0x0]  }
0x9d: {  	v59 =	vld [tilespmem:s26+$0x8000];
	_ =	sdelay $0x4  }
0x9e: {  	v0 =	vadd.f32 v59, v0;
	_ =	sdelay $0x1  }
0x9f: {  	s28 =	sor.u32 $0x1C40, s18;
	[tilespmem:s26+$0x0] =	vst v0  }
0xa0: {  	v0 =	vld [tilespmem:s28+$0x0]  }
0xa1: {  	v60 =	vld [tilespmem:s28+$0x8000];
	_ =	sdelay $0x4  }
0xa2: {  	v0 =	vadd.f32 v60, v0;
	_ =	sdelay $0x1  }
0xa3: {  	s29 =	sor.u32 $0x1C50, s18;
	[tilespmem:s28+$0x0] =	vst v0  }
0xa4: {  	v0 =	vld [tilespmem:s29+$0x0]  }
0xa5: {  	v61 =	vld [tilespmem:s29+$0x8000];
	_ =	sdelay $0x4  }
0xa6: {  	v0 =	vadd.f32 v61, v0;
	_ =	sdelay $0x1  }
0xa7: {  	s30 =	sor.u32 $0x1C60, s18;
	[tilespmem:s29+$0x0] =	vst v0  }
0xa8: {  	v0 =	vld [tilespmem:s30+$0x0]  }
0xa9: {  	v62 =	vld [tilespmem:s30+$0x8000];
	_ =	sdelay $0x4  }
0xaa: {  	v0 =	vadd.f32 v62, v0;
	_ =	sdelay $0x1  }
0xab: {  	s31 =	sor.u32 $0x1C70, s18;
	[tilespmem:s30+$0x0] =	vst v0  }
0xac: {  	v0 =	vld [tilespmem:s31+$0x0]  }
0xad: {  	v63 =	vld [tilespmem:s31+$0x8000];
	_ =	sdelay $0x1  }
0xae: {  	p0 =	sne.s32 s16, $0xF80  }
.Ltmp0:
0xaf: {  	_ = 	snop;
	(pc) =	sbr.rel @p0 .LBB2_3-.Ltmp0, $4  }
0xb0: {  	_ = 	snop  }
0xb1: {  	v0 =	vadd.f32 v63, v0  }
0xb2: {  	s13 =	sadd.s32 $0x1, s13  }
0xb3: {  	s14 =	sadd.s32 $0x400, s14;
	s16 =	sadd.s32 $0x80, s16;
	s15 =	sadd.s32 $0x400, s15;
	[tilespmem:s31+$0x0] =	vst v0  }
0xb4: {  	s11 =	sadd.s32 $0x1, s11  }
0xb5: {  	p0 =	sne.s32 s11, $0x4  }
.Ltmp1:
0xb6: {  	s12 =	sadd.s32 s4, s12;
	(pc) =	sbr.rel @p0 .LBB2_2-.Ltmp1, $4  }
0xb7: {  	[hbm4b:s12+s2] =	stream.linear.scatter [tilespmem:s2], [sflag:$0x1], $0x8000, $0x38;
	[tilespmem:$0x10000] =	vst v63  }
0xb8: {  	_ =	swait.ge [sflag:s8], $0x8000  }
0xb9: {  	[sflag:s8] =	ssyncset.done $0x0  }
0xba: {  	[sflag:s8] =	ssyncadd.s32 $0xFFFF8000  }
0xbb: {  	s10 =	sadd.s32 $0x1, s10  }
0xbc: {  	p0 =	sne.s32 s10, s7  }
.Ltmp2:
0xbd: {  	_ = 	snop;
	(pc) =	sbr.rel @p0 .LBB2_1-.Ltmp2, $1  }
0xbe: {  	_ =	sdelay $0x3  }
0xbf: {  	_ =	sfence.sel $0x180000  }
0xc0: {  	[bflag:$0x0] =	sbarrier.arrive $0xFFFF  }
0xc1: {  	p0 =	sne.s32 s3, $0x0;
	_ =	strace $0x90000047  }
0xc2: {  	s0 =	sadd.s32 @!p0 $0x100000, s0;
	[bflag:$0x2] =	sbarrier.arrive $0xFFFF  }
0xc3: {  	[sflag:s0] =	ssyncadd.tile.s32 @!p0 $0x1;
	_ =	shalt  }
.Lfunc_end2:
_tile_overlayer_lowered:
.L_overlay_start_2:
0xc4: {  	(tag) =	ssettag $0x2  }
0xc5: {  	s0 =	rddreg [dreg:$0x0];
	s2 =	stileid.u32  }
0xc6: {  	s1 =	rddreg [dreg:$0x1];
	p0 =	sne.s32 s2, $0x0  }
0xc7: {  	s3 =	rddreg [dreg:$0x2];
	[bflag:$0x3] =	sbarrier.arrive $0xFFFF;
	s2 =	simm.s32 @!p0 $0x1C01  }
0xc8: {  	[timem:s3], [sflag:s2] =	dma.local @!p0 [hbm:s0], s1  }
0xc9: {  	s0 =	simm.s32 @!p0 $0x1  }
0xca: {  	_ =	swait.ge @!p0 [sflag:s0], s1  }
0xcb: {  	s1 =	ssub.s32 @!p0 $0x0, s1;
	[sflag:s0] =	ssyncset.done @!p0 $0x0  }
0xcc: {  	[sflag:s0] =	ssyncadd.s32 @!p0 s1  }
0xcd: {  	[bflag:$0x3] =	sbarrier.arrive $0xFFFF  }
0xce: {  	_ =	shalt  }

</sc_bundles>
